<compile_context>
chip_gen: v7x
topology: tpu7x:2x2x1
jax: 0.10.2.dev20260603
libtpu: 0.0.44.dev20260713+nightly
codegen_flags: <defaults>
</compile_context>

<pallas_src>
import functools

import jax
import jax.numpy as jnp
from jax import lax
from jax.experimental import pallas as pl
from jax.experimental.pallas import tpu as pltpu
from jax.experimental.pallas import tpu_sc as plsc

B = 8
N = 10000
L = 16
C = 128
HID = 256
NOUT = 2500

NTILES = 32
CHUNK = 64
ROWS_PAD = 163840
RPT = ROWS_PAD // NTILES
NCH = RPT // CHUNK
NPV = ROWS_PAD * C // (L * C)

TB = 512
NB = NPV // TB


def _sc_gather(x, idx2d):
    mesh = plsc.VectorSubcoreMesh(core_axis_name="c", subcore_axis_name="s")

    @functools.partial(
        pl.kernel,
        mesh=mesh,
        out_type=jax.ShapeDtypeStruct((B, ROWS_PAD, C), jnp.float32),
        scratch_types=[
            pltpu.VMEM((NCH, CHUNK), jnp.int32),
            pltpu.VMEM((B, CHUNK, C), jnp.float32),
            pltpu.SemaphoreType.DMA((B,)),
            pltpu.SemaphoreType.DMA((B,)),
        ],
    )
    def gather_kernel(x_hbm, idx_hbm, feat_hbm, idx_v, rows_v, gsem, ssem):
        wid = lax.axis_index("s") * 2 + lax.axis_index("c")
        pltpu.sync_copy(idx_hbm.at[pl.ds(wid * NCH, NCH)], idx_v)
        base = wid * RPT

        def gath(b, ci):
            return pltpu.make_async_copy(
                x_hbm.at[b].at[idx_v.at[ci]], rows_v.at[b], gsem.at[b])

        def scat(b, ci):
            return pltpu.make_async_copy(
                rows_v.at[b],
                feat_hbm.at[b].at[pl.ds(base + ci * CHUNK, CHUNK)],
                ssem.at[b])

        def body(ci, carry):
            for b in range(B):
                @pl.when(ci > 0)
                def _(b=b):
                    scat(b, ci - 1).wait()
                gath(b, ci).start()
            for b in range(B):
                gath(b, ci).wait()
                scat(b, ci).start()
            return carry

        lax.fori_loop(0, NCH, body, 0)
        for b in range(B):
            scat(b, NCH - 1).wait()

    return gather_kernel(x, idx2d)


def _tc_dense(feat, down_transform, W, b2d):

    def body(feat_ref, t_ref, w_ref, b_ref, out_ref):
        nb = pl.program_id(0)
        bb = pl.program_id(1)
        h = jnp.dot(feat_ref[0], w_ref[...], preferred_element_type=jnp.float32)
        h = jnp.maximum(h + b_ref[...], 0.0)

        @pl.when(nb == 0)
        def _():
            out_ref[bb] = jnp.zeros_like(out_ref[bb])

        out_ref[bb] += jnp.dot(t_ref[...], h, preferred_element_type=jnp.float32)

    return pl.pallas_call(
        body,
        grid=(NB, B),
        in_specs=[
            pl.BlockSpec((1, TB, L * C), lambda nb, bb: (bb, nb, 0)),
            pl.BlockSpec((NOUT, TB), lambda nb, bb: (0, nb)),
            pl.BlockSpec((L * C, HID), lambda nb, bb: (0, 0)),
            pl.BlockSpec((1, HID), lambda nb, bb: (0, 0)),
        ],
        out_specs=pl.BlockSpec((B, NOUT, HID), lambda nb, bb: (0, 0, 0)),
        out_shape=jax.ShapeDtypeStruct((B, NOUT, HID), jnp.float32),
        compiler_params=pltpu.CompilerParams(
            dimension_semantics=("arbitrary", "arbitrary"),
        ),
    )(feat, down_transform, W, b2d)


def kernel(x, indices, down_transform, W, b):
    flat_idx = indices.reshape(-1).astype(jnp.int32)
    flat_idx = jnp.pad(flat_idx, (0, ROWS_PAD - N * L))
    idx2d = flat_idx.reshape(NTILES * NCH, CHUNK)
    feat = _sc_gather(x, idx2d)
    feat = feat.reshape(B, NPV, L * C)
    t_pad = jnp.pad(down_transform, ((0, 0), (0, NPV - N)))
    out = _tc_dense(feat, t_pad, W, b.reshape(1, HID))
    return out

# --- scband reference (transcript-rebuilt; emitter-appended) ---
"""Pipeline reference for scband-spiral-enblock-2808908612151 (READ-ONLY COPY).

The authoritative reference and input builder live on the scoring server;
editing this copy changes nothing except your own understanding.
"""

import jax, jax.numpy as jnp
import numpy as np

B = 8
N = 10000
L = 16          # spiral length
IN_C = 128
HID = 256
N_OUT = 2500    # down-pooled vertex count


def setup_inputs(seed: int = 0) -> dict:
    key = jax.random.key(seed)
    k1, k2, k3, k4 = jax.random.split(key, 4)
    x = jax.random.normal(k1, (B, N, IN_C), dtype=jnp.float32)
    # spiral indices: for each vertex, L neighbor vertex ids (int64, values < N)
    indices = jax.random.randint(k2, (N, L), 0, N).astype(jnp.int64)
    # dense down-sampling transform [N_out, N] (sparse barycentric matrix in the
    # original code; represented dense here, same math)
    down_transform = jax.random.normal(k3, (N_OUT, N), dtype=jnp.float32) * 0.01
    # SpiralConv linear layer: (L*IN_C) -> HID
    W = jax.random.normal(k4, (L * IN_C, HID), dtype=jnp.float32) * (1.0 / np.sqrt(L * IN_C))
    b = jnp.zeros((HID,), dtype=jnp.float32)
    return {"x": x, "indices": indices, "down_transform": down_transform, "W": W, "b": b}


def reference(x, indices, down_transform, W, b):
    Bb, Nn, C = x.shape
    Ll = indices.shape[1]
    # SpiralConv: gather spiral neighborhoods along vertex axis
    flat_idx = indices.reshape(-1)                      # [N*L]
    gathered = jnp.take(x, flat_idx, axis=1)            # [B, N*L, C]
    feat = gathered.reshape(Bb, Nn, Ll * C)             # [B, N, L*C]
    h = feat @ W + b                                    # [B, N, HID]
    # activation
    h = jax.nn.relu(h)
    # SpiralPool / pool_bvc: batched vertex pooling  out = T @ h per batch
    out = jnp.einsum('mn,bnc->bmc', down_transform, h)  # [B, N_OUT, HID]
    return out

if __name__ == "__main__":
    import jax
    _d = setup_inputs()
    print(jax.jit(kernel)(*tuple(_d.values())))

</pallas_src>

<mosaic_0001>
#map = affine_map<(d0, d1) -> (0, 0, 0)>
#map1 = affine_map<(d0, d1) -> (0, 0)>
module attributes {stable_mosaic.version = 14 : i64} {
  func.func @gather_kernel(%arg0: i32, %arg1: i32, %arg2: memref<8x10000x128xf32, #tpu.memory_space<hbm>>, %arg3: memref<2560x64xi32, #tpu.memory_space<hbm>>, %arg4: memref<8x163840x128xf32, #tpu.memory_space<hbm>>, %arg5: memref<80x64xi32, #tpu.memory_space<vmem>>, %arg6: memref<8x64x128xf32, #tpu.memory_space<vmem>>, %arg7: memref<8x!tpu.dma_semaphore, #tpu.memory_space<semaphore_mem>>, %arg8: memref<8x!tpu.dma_semaphore, #tpu.memory_space<semaphore_mem>>) attributes {dimension_semantics = [#tpu.dimension_semantics<core_parallel>, #tpu.dimension_semantics<subcore_parallel>], iteration_bounds = array<i64: 2, 16>, scalar_prefetch = 0 : i64, scratch_operands = 4 : i64, tpu.core_type = #tpu.core_type<sc_vector_subcore>, window_params = [{transform_indices = #map}, {transform_indices = #map1}, {transform_indices = #map}]} {
    %mul3A = arith.constant 2 : i32
    %mul3A_0 = arith.muli %arg1, %mul3A : i32
    %add3A = arith.addi %mul3A_0, %arg0 : i32
    %mul3A_1 = arith.constant 80 : i32
    %mul3A_2 = arith.muli %add3A, %mul3A_1 : i32
    "tpu.region"() ({
      %run_scoped3A = tpu.sem_alloc : memref<!tpu.dma_semaphore, #tpu.memory_space<semaphore_mem>>
      %dma_start3A = arith.constant 0 : i32
      %dma_start3A_225 = tpu.memref_slice %arg3[%mul3A_2, %dma_start3A] : memref<2560x64xi32, #tpu.memory_space<hbm>> -> memref<80x64xi32, #tpu.memory_space<hbm>>
      %dma_start3A_226 = arith.constant 0 : i32
      %dma_start3A_227 = tpu.memref_slice %arg3[%mul3A_2, %dma_start3A_226] : memref<2560x64xi32, #tpu.memory_space<hbm>> -> memref<80x64xi32, #tpu.memory_space<hbm>>
      tpu.enqueue_dma source(%dma_start3A_227 : memref<80x64xi32, #tpu.memory_space<hbm>>) target(%arg5 : memref<80x64xi32, #tpu.memory_space<vmem>>) target_semaphore(%run_scoped3A : memref<!tpu.dma_semaphore, #tpu.memory_space<semaphore_mem>>)
      %dma_wait3A_228 = arith.constant 0 : i32
      %dma_wait3A_229 = tpu.memref_slice %arg3[%mul3A_2, %dma_wait3A_228] : memref<2560x64xi32, #tpu.memory_space<hbm>> -> memref<80x64xi32, #tpu.memory_space<hbm>>
      %dma_wait3A_230 = arith.constant 0 : i32
      %dma_wait3A_231 = tpu.memref_slice %arg3[%mul3A_2, %dma_wait3A_230] : memref<2560x64xi32, #tpu.memory_space<hbm>> -> memref<80x64xi32, #tpu.memory_space<hbm>>
      tpu.wait_dma2 semaphore(%run_scoped3A : memref<!tpu.dma_semaphore, #tpu.memory_space<semaphore_mem>>) src(%dma_wait3A_231 : memref<80x64xi32, #tpu.memory_space<hbm>>) dst(%arg5 : memref<80x64xi32, #tpu.memory_space<vmem>>)
      tpu.yield
    }) : () -> ()
    %mul3A_3 = arith.constant 5120 : i32
    %mul3A_4 = arith.muli %add3A, %mul3A_3 : i32
    %scan3A = arith.constant 0 : i32
    %scan3A_5 = arith.constant 0 : i32
    %scan3A_6 = arith.constant 80 : i32
    %scan3A_7 = arith.addi %scan3A_5, %scan3A_6 : i32
    %scan3A_8 = arith.constant 1 : i32
    scf.for %scan3A_225 = %scan3A_5 to %scan3A_7 step %scan3A_8  : i32 {
      %gt3A = arith.constant 0 : i32
      %gt3A_226 = arith.cmpi sgt, %scan3A_225, %gt3A : i32
      %convert_element_type3A = arith.extui %gt3A_226 : i1 to i32
      %cond3A = arith.constant 0 : i32
      %cond3A_227 = arith.cmpi ne, %convert_element_type3A, %cond3A : i32
      scf.if %cond3A_227 {
        %sub3A = arith.constant 1 : i32
        %sub3A_790 = arith.subi %scan3A_225, %sub3A : i32
        %mul3A_791 = arith.constant 64 : i32
        %mul3A_792 = arith.muli %sub3A_790, %mul3A_791 : i32
        %add3A_793 = arith.addi %mul3A_4, %mul3A_792 : i32
        %dma_wait3A_794 = arith.constant 0 : i32
        %dma_wait3A_795 = arith.constant 0 : i32
        %dma_wait3A_796 = arith.constant 0 : i32
        %dma_wait3A_797 = arith.constant 0 : i32
        %dma_wait3A_798 = arith.constant 0 : i32
        %dma_wait3A_799 = tpu.memref_slice %arg6[%dma_wait3A_794, %dma_wait3A_797, %dma_wait3A_798] : memref<8x64x128xf32, #tpu.memory_space<vmem>> -> memref<1x64x128xf32, #tpu.memory_space<vmem>>
        %dma_wait3A_800 = tpu.memref_squeeze %dma_wait3A_799 : memref<1x64x128xf32, #tpu.memory_space<vmem>> -> memref<64x128xf32, #tpu.memory_space<vmem>>
        %dma_wait3A_801 = arith.constant 0 : i32
        %dma_wait3A_802 = arith.constant 0 : i32
        %dma_wait3A_803 = tpu.memref_slice %arg4[%dma_wait3A_795, %dma_wait3A_801, %dma_wait3A_802] : memref<8x163840x128xf32, #tpu.memory_space<hbm>> -> memref<1x163840x128xf32, #tpu.memory_space<hbm>>
        %dma_wait3A_804 = tpu.memref_squeeze %dma_wait3A_803 : memref<1x163840x128xf32, #tpu.memory_space<hbm>> -> memref<163840x128xf32, #tpu.memory_space<hbm>>
        %dma_wait3A_805 = arith.constant 0 : i32
        %dma_wait3A_806 = tpu.memref_slice %dma_wait3A_804[%add3A_793, %dma_wait3A_805] : memref<163840x128xf32, #tpu.memory_space<hbm>> -> memref<64x128xf32, #tpu.memory_space<hbm>>
        %dma_wait3A_807 = tpu.memref_slice %arg8[%dma_wait3A_796] : memref<8x!tpu.dma_semaphore, #tpu.memory_space<semaphore_mem>> -> memref<1x!tpu.dma_semaphore, #tpu.memory_space<semaphore_mem>>
        %dma_wait3A_808 = tpu.memref_squeeze %dma_wait3A_807 : memref<1x!tpu.dma_semaphore, #tpu.memory_space<semaphore_mem>> -> memref<!tpu.dma_semaphore, #tpu.memory_space<semaphore_mem>>
        %dma_wait3A_809 = arith.constant 0 : i32
        %dma_wait3A_810 = arith.constant 0 : i32
        %dma_wait3A_811 = tpu.memref_slice %arg4[%dma_wait3A_795, %dma_wait3A_809, %dma_wait3A_810] : memref<8x163840x128xf32, #tpu.memory_space<hbm>> -> memref<1x163840x128xf32, #tpu.memory_space<hbm>>
        %dma_wait3A_812 = tpu.memref_squeeze %dma_wait3A_811 : memref<1x163840x128xf32, #tpu.memory_space<hbm>> -> memref<163840x128xf32, #tpu.memory_space<hbm>>
        %dma_wait3A_813 = arith.constant 0 : i32
        %dma_wait3A_814 = tpu.memref_slice %dma_wait3A_812[%add3A_793, %dma_wait3A_813] : memref<163840x128xf32, #tpu.memory_space<hbm>> -> memref<64x128xf32, #tpu.memory_space<hbm>>
        %dma_wait3A_815 = arith.constant 0 : i32
        %dma_wait3A_816 = arith.constant 0 : i32
        %dma_wait3A_817 = tpu.memref_slice %arg6[%dma_wait3A_794, %dma_wait3A_815, %dma_wait3A_816] : memref<8x64x128xf32, #tpu.memory_space<vmem>> -> memref<1x64x128xf32, #tpu.memory_space<vmem>>
        %dma_wait3A_818 = tpu.memref_squeeze %dma_wait3A_817 : memref<1x64x128xf32, #tpu.memory_space<vmem>> -> memref<64x128xf32, #tpu.memory_space<vmem>>
        tpu.wait_dma2 semaphore(%dma_wait3A_808 : memref<!tpu.dma_semaphore, #tpu.memory_space<semaphore_mem>>) src(%dma_wait3A_818 : memref<64x128xf32, #tpu.memory_space<vmem>>) dst(%dma_wait3A_814 : memref<64x128xf32, #tpu.memory_space<hbm>>)
      } else {
      }
      %dma_start3A = arith.constant 0 : i32
      %dma_start3A_228 = arith.constant 0 : i32
      %dma_start3A_229 = arith.constant 0 : i32
      %dma_start3A_230 = arith.constant 0 : i32
      %dma_start3A_231 = arith.constant 0 : i32
      %dma_start3A_232 = tpu.memref_slice %arg6[%dma_start3A_228, %dma_start3A_230, %dma_start3A_231] : memref<8x64x128xf32, #tpu.memory_space<vmem>> -> memref<1x64x128xf32, #tpu.memory_space<vmem>>
      %dma_start3A_233 = tpu.memref_squeeze %dma_start3A_232 : memref<1x64x128xf32, #tpu.memory_space<vmem>> -> memref<64x128xf32, #tpu.memory_space<vmem>>
      %dma_start3A_234 = arith.constant 0 : i32
      %dma_start3A_235 = tpu.memref_slice %arg5[%scan3A_225, %dma_start3A_234] : memref<80x64xi32, #tpu.memory_space<vmem>> -> memref<1x64xi32, #tpu.memory_space<vmem>>
      %dma_start3A_236 = tpu.memref_squeeze %dma_start3A_235 : memref<1x64xi32, #tpu.memory_space<vmem>> -> memref<64xi32, #tpu.memory_space<vmem>>
      %dma_start3A_237 = arith.constant 0 : i32
      %dma_start3A_238 = arith.constant 0 : i32
      %dma_start3A_239 = tpu.memref_slice %arg2[%dma_start3A, %dma_start3A_237, %dma_start3A_238] : memref<8x10000x128xf32, #tpu.memory_space<hbm>> -> memref<1x10000x128xf32, #tpu.memory_space<hbm>>
      %dma_start3A_240 = tpu.memref_squeeze %dma_start3A_239 : memref<1x10000x128xf32, #tpu.memory_space<hbm>> -> memref<10000x128xf32, #tpu.memory_space<hbm>>
      %dma_start3A_241 = arith.constant 0 : i32
      %dma_start3A_242 = arith.constant 0 : i32
      %dma_start3A_243 = tpu.memref_slice %dma_start3A_240[%dma_start3A_241, %dma_start3A_242] : memref<10000x128xf32, #tpu.memory_space<hbm>> -> memref<10000x128xf32, #tpu.memory_space<hbm>>
      %dma_start3A_244 = tpu.memref_slice %arg7[%dma_start3A_229] : memref<8x!tpu.dma_semaphore, #tpu.memory_space<semaphore_mem>> -> memref<1x!tpu.dma_semaphore, #tpu.memory_space<semaphore_mem>>
      %dma_start3A_245 = tpu.memref_squeeze %dma_start3A_244 : memref<1x!tpu.dma_semaphore, #tpu.memory_space<semaphore_mem>> -> memref<!tpu.dma_semaphore, #tpu.memory_space<semaphore_mem>>
      tpu.enqueue_indirect_dma source(%dma_start3A_243 : memref<10000x128xf32, #tpu.memory_space<hbm>>) target(%dma_start3A_233 : memref<64x128xf32, #tpu.memory_space<vmem>>) offsets(%dma_start3A_236 : memref<64xi32, #tpu.memory_space<vmem>>) semaphore(%dma_start3A_245 : memref<!tpu.dma_semaphore, #tpu.memory_space<semaphore_mem>>)
      %gt3A_246 = arith.constant 0 : i32
      %gt3A_247 = arith.cmpi sgt, %scan3A_225, %gt3A_246 : i32
      %convert_element_type3A_248 = arith.extui %gt3A_247 : i1 to i32
      %cond3A_249 = arith.constant 0 : i32
      %cond3A_250 = arith.cmpi ne, %convert_element_type3A_248, %cond3A_249 : i32
      scf.if %cond3A_250 {
        %sub3A = arith.constant 1 : i32
        %sub3A_790 = arith.subi %scan3A_225, %sub3A : i32
        %mul3A_791 = arith.constant 64 : i32
        %mul3A_792 = arith.muli %sub3A_790, %mul3A_791 : i32
        %add3A_793 = arith.addi %mul3A_4, %mul3A_792 : i32
        %dma_wait3A_794 = arith.constant 1 : i32
        %dma_wait3A_795 = arith.constant 1 : i32
        %dma_wait3A_796 = arith.constant 1 : i32
        %dma_wait3A_797 = arith.constant 0 : i32
        %dma_wait3A_798 = arith.constant 0 : i32
        %dma_wait3A_799 = tpu.memref_slice %arg6[%dma_wait3A_794, %dma_wait3A_797, %dma_wait3A_798] : memref<8x64x128xf32, #tpu.memory_space<vmem>> -> memref<1x64x128xf32, #tpu.memory_space<vmem>>
        %dma_wait3A_800 = tpu.memref_squeeze %dma_wait3A_799 : memref<1x64x128xf32, #tpu.memory_space<vmem>> -> memref<64x128xf32, #tpu.memory_space<vmem>>
        %dma_wait3A_801 = arith.constant 0 : i32
        %dma_wait3A_802 = arith.constant 0 : i32
        %dma_wait3A_803 = tpu.memref_slice %arg4[%dma_wait3A_795, %dma_wait3A_801, %dma_wait3A_802] : memref<8x163840x128xf32, #tpu.memory_space<hbm>> -> memref<1x163840x128xf32, #tpu.memory_space<hbm>>
        %dma_wait3A_804 = tpu.memref_squeeze %dma_wait3A_803 : memref<1x163840x128xf32, #tpu.memory_space<hbm>> -> memref<163840x128xf32, #tpu.memory_space<hbm>>
        %dma_wait3A_805 = arith.constant 0 : i32
        %dma_wait3A_806 = tpu.memref_slice %dma_wait3A_804[%add3A_793, %dma_wait3A_805] : memref<163840x128xf32, #tpu.memory_space<hbm>> -> memref<64x128xf32, #tpu.memory_space<hbm>>
        %dma_wait3A_807 = tpu.memref_slice %arg8[%dma_wait3A_796] : memref<8x!tpu.dma_semaphore, #tpu.memory_space<semaphore_mem>> -> memref<1x!tpu.dma_semaphore, #tpu.memory_space<semaphore_mem>>
        %dma_wait3A_808 = tpu.memref_squeeze %dma_wait3A_807 : memref<1x!tpu.dma_semaphore, #tpu.memory_space<semaphore_mem>> -> memref<!tpu.dma_semaphore, #tpu.memory_space<semaphore_mem>>
        %dma_wait3A_809 = arith.constant 0 : i32
        %dma_wait3A_810 = arith.constant 0 : i32
        %dma_wait3A_811 = tpu.memref_slice %arg4[%dma_wait3A_795, %dma_wait3A_809, %dma_wait3A_810] : memref<8x163840x128xf32, #tpu.memory_space<hbm>> -> memref<1x163840x128xf32, #tpu.memory_space<hbm>>
        %dma_wait3A_812 = tpu.memref_squeeze %dma_wait3A_811 : memref<1x163840x128xf32, #tpu.memory_space<hbm>> -> memref<163840x128xf32, #tpu.memory_space<hbm>>
        %dma_wait3A_813 = arith.constant 0 : i32
        %dma_wait3A_814 = tpu.memref_slice %dma_wait3A_812[%add3A_793, %dma_wait3A_813] : memref<163840x128xf32, #tpu.memory_space<hbm>> -> memref<64x128xf32, #tpu.memory_space<hbm>>
        %dma_wait3A_815 = arith.constant 0 : i32
        %dma_wait3A_816 = arith.constant 0 : i32
        %dma_wait3A_817 = tpu.memref_slice %arg6[%dma_wait3A_794, %dma_wait3A_815, %dma_wait3A_816] : memref<8x64x128xf32, #tpu.memory_space<vmem>> -> memref<1x64x128xf32, #tpu.memory_space<vmem>>
        %dma_wait3A_818 = tpu.memref_squeeze %dma_wait3A_817 : memref<1x64x128xf32, #tpu.memory_space<vmem>> -> memref<64x128xf32, #tpu.memory_space<vmem>>
        tpu.wait_dma2 semaphore(%dma_wait3A_808 : memref<!tpu.dma_semaphore, #tpu.memory_space<semaphore_mem>>) src(%dma_wait3A_818 : memref<64x128xf32, #tpu.memory_space<vmem>>) dst(%dma_wait3A_814 : memref<64x128xf32, #tpu.memory_space<hbm>>)
      } else {
      }
      %dma_start3A_251 = arith.constant 1 : i32
      %dma_start3A_252 = arith.constant 1 : i32
      %dma_start3A_253 = arith.constant 1 : i32
      %dma_start3A_254 = arith.constant 0 : i32
      %dma_start3A_255 = arith.constant 0 : i32
      %dma_start3A_256 = tpu.memref_slice %arg6[%dma_start3A_252, %dma_start3A_254, %dma_start3A_255] : memref<8x64x128xf32, #tpu.memory_space<vmem>> -> memref<1x64x128xf32, #tpu.memory_space<vmem>>
      %dma_start3A_257 = tpu.memref_squeeze %dma_start3A_256 : memref<1x64x128xf32, #tpu.memory_space<vmem>> -> memref<64x128xf32, #tpu.memory_space<vmem>>
      %dma_start3A_258 = arith.constant 0 : i32
      %dma_start3A_259 = tpu.memref_slice %arg5[%scan3A_225, %dma_start3A_258] : memref<80x64xi32, #tpu.memory_space<vmem>> -> memref<1x64xi32, #tpu.memory_space<vmem>>
      %dma_start3A_260 = tpu.memref_squeeze %dma_start3A_259 : memref<1x64xi32, #tpu.memory_space<vmem>> -> memref<64xi32, #tpu.memory_space<vmem>>
      %dma_start3A_261 = arith.constant 0 : i32
      %dma_start3A_262 = arith.constant 0 : i32
      %dma_start3A_263 = tpu.memref_slice %arg2[%dma_start3A_251, %dma_start3A_261, %dma_start3A_262] : memref<8x10000x128xf32, #tpu.memory_space<hbm>> -> memref<1x10000x128xf32, #tpu.memory_space<hbm>>
      %dma_start3A_264 = tpu.memref_squeeze %dma_start3A_263 : memref<1x10000x128xf32, #tpu.memory_space<hbm>> -> memref<10000x128xf32, #tpu.memory_space<hbm>>
      %dma_start3A_265 = arith.constant 0 : i32
      %dma_start3A_266 = arith.constant 0 : i32
      %dma_start3A_267 = tpu.memref_slice %dma_start3A_264[%dma_start3A_265, %dma_start3A_266] : memref<10000x128xf32, #tpu.memory_space<hbm>> -> memref<10000x128xf32, #tpu.memory_space<hbm>>
      %dma_start3A_268 = tpu.memref_slice %arg7[%dma_start3A_253] : memref<8x!tpu.dma_semaphore, #tpu.memory_space<semaphore_mem>> -> memref<1x!tpu.dma_semaphore, #tpu.memory_space<semaphore_mem>>
      %dma_start3A_269 = tpu.memref_squeeze %dma_start3A_268 : memref<1x!tpu.dma_semaphore, #tpu.memory_space<semaphore_mem>> -> memref<!tpu.dma_semaphore, #tpu.memory_space<semaphore_mem>>
      tpu.enqueue_indirect_dma source(%dma_start3A_267 : memref<10000x128xf32, #tpu.memory_space<hbm>>) target(%dma_start3A_257 : memref<64x128xf32, #tpu.memory_space<vmem>>) offsets(%dma_start3A_260 : memref<64xi32, #tpu.memory_space<vmem>>) semaphore(%dma_start3A_269 : memref<!tpu.dma_semaphore, #tpu.memory_space<semaphore_mem>>)
      %gt3A_270 = arith.constant 0 : i32
      %gt3A_271 = arith.cmpi sgt, %scan3A_225, %gt3A_270 : i32
      %convert_element_type3A_272 = arith.extui %gt3A_271 : i1 to i32
      %cond3A_273 = arith.constant 0 : i32
      %cond3A_274 = arith.cmpi ne, %convert_element_type3A_272, %cond3A_273 : i32
      scf.if %cond3A_274 {
        %sub3A = arith.constant 1 : i32
        %sub3A_790 = arith.subi %scan3A_225, %sub3A : i32
        %mul3A_791 = arith.constant 64 : i32
        %mul3A_792 = arith.muli %sub3A_790, %mul3A_791 : i32
        %add3A_793 = arith.addi %mul3A_4, %mul3A_792 : i32
        %dma_wait3A_794 = arith.constant 2 : i32
        %dma_wait3A_795 = arith.constant 2 : i32
        %dma_wait3A_796 = arith.constant 2 : i32
        %dma_wait3A_797 = arith.constant 0 : i32
        %dma_wait3A_798 = arith.constant 0 : i32
        %dma_wait3A_799 = tpu.memref_slice %arg6[%dma_wait3A_794, %dma_wait3A_797, %dma_wait3A_798] : memref<8x64x128xf32, #tpu.memory_space<vmem>> -> memref<1x64x128xf32, #tpu.memory_space<vmem>>
        %dma_wait3A_800 = tpu.memref_squeeze %dma_wait3A_799 : memref<1x64x128xf32, #tpu.memory_space<vmem>> -> memref<64x128xf32, #tpu.memory_space<vmem>>
        %dma_wait3A_801 = arith.constant 0 : i32
        %dma_wait3A_802 = arith.constant 0 : i32
        %dma_wait3A_803 = tpu.memref_slice %arg4[%dma_wait3A_795, %dma_wait3A_801, %dma_wait3A_802] : memref<8x163840x128xf32, #tpu.memory_space<hbm>> -> memref<1x163840x128xf32, #tpu.memory_space<hbm>>
        %dma_wait3A_804 = tpu.memref_squeeze %dma_wait3A_803 : memref<1x163840x128xf32, #tpu.memory_space<hbm>> -> memref<163840x128xf32, #tpu.memory_space<hbm>>
        %dma_wait3A_805 = arith.constant 0 : i32
        %dma_wait3A_806 = tpu.memref_slice %dma_wait3A_804[%add3A_793, %dma_wait3A_805] : memref<163840x128xf32, #tpu.memory_space<hbm>> -> memref<64x128xf32, #tpu.memory_space<hbm>>
        %dma_wait3A_807 = tpu.memref_slice %arg8[%dma_wait3A_796] : memref<8x!tpu.dma_semaphore, #tpu.memory_space<semaphore_mem>> -> memref<1x!tpu.dma_semaphore, #tpu.memory_space<semaphore_mem>>
        %dma_wait3A_808 = tpu.memref_squeeze %dma_wait3A_807 : memref<1x!tpu.dma_semaphore, #tpu.memory_space<semaphore_mem>> -> memref<!tpu.dma_semaphore, #tpu.memory_space<semaphore_mem>>
        %dma_wait3A_809 = arith.constant 0 : i32
        %dma_wait3A_810 = arith.constant 0 : i32
        %dma_wait3A_811 = tpu.memref_slice %arg4[%dma_wait3A_795, %dma_wait3A_809, %dma_wait3A_810] : memref<8x163840x128xf32, #tpu.memory_space<hbm>> -> memref<1x163840x128xf32, #tpu.memory_space<hbm>>
        %dma_wait3A_812 = tpu.memref_squeeze %dma_wait3A_811 : memref<1x163840x128xf32, #tpu.memory_space<hbm>> -> memref<163840x128xf32, #tpu.memory_space<hbm>>
        %dma_wait3A_813 = arith.constant 0 : i32
        %dma_wait3A_814 = tpu.memref_slice %dma_wait3A_812[%add3A_793, %dma_wait3A_813] : memref<163840x128xf32, #tpu.memory_space<hbm>> -> memref<64x128xf32, #tpu.memory_space<hbm>>
        %dma_wait3A_815 = arith.constant 0 : i32
        %dma_wait3A_816 = arith.constant 0 : i32
        %dma_wait3A_817 = tpu.memref_slice %arg6[%dma_wait3A_794, %dma_wait3A_815, %dma_wait3A_816] : memref<8x64x128xf32, #tpu.memory_space<vmem>> -> memref<1x64x128xf32, #tpu.memory_space<vmem>>
        %dma_wait3A_818 = tpu.memref_squeeze %dma_wait3A_817 : memref<1x64x128xf32, #tpu.memory_space<vmem>> -> memref<64x128xf32, #tpu.memory_space<vmem>>
        tpu.wait_dma2 semaphore(%dma_wait3A_808 : memref<!tpu.dma_semaphore, #tpu.memory_space<semaphore_mem>>) src(%dma_wait3A_818 : memref<64x128xf32, #tpu.memory_space<vmem>>) dst(%dma_wait3A_814 : memref<64x128xf32, #tpu.memory_space<hbm>>)
      } else {
      }
      %dma_start3A_275 = arith.constant 2 : i32
      %dma_start3A_276 = arith.constant 2 : i32
      %dma_start3A_277 = arith.constant 2 : i32
      %dma_start3A_278 = arith.constant 0 : i32
      %dma_start3A_279 = arith.constant 0 : i32
      %dma_start3A_280 = tpu.memref_slice %arg6[%dma_start3A_276, %dma_start3A_278, %dma_start3A_279] : memref<8x64x128xf32, #tpu.memory_space<vmem>> -> memref<1x64x128xf32, #tpu.memory_space<vmem>>
      %dma_start3A_281 = tpu.memref_squeeze %dma_start3A_280 : memref<1x64x128xf32, #tpu.memory_space<vmem>> -> memref<64x128xf32, #tpu.memory_space<vmem>>
      %dma_start3A_282 = arith.constant 0 : i32
      %dma_start3A_283 = tpu.memref_slice %arg5[%scan3A_225, %dma_start3A_282] : memref<80x64xi32, #tpu.memory_space<vmem>> -> memref<1x64xi32, #tpu.memory_space<vmem>>
      %dma_start3A_284 = tpu.memref_squeeze %dma_start3A_283 : memref<1x64xi32, #tpu.memory_space<vmem>> -> memref<64xi32, #tpu.memory_space<vmem>>
      %dma_start3A_285 = arith.constant 0 : i32
      %dma_start3A_286 = arith.constant 0 : i32
      %dma_start3A_287 = tpu.memref_slice %arg2[%dma_start3A_275, %dma_start3A_285, %dma_start3A_286] : memref<8x10000x128xf32, #tpu.memory_space<hbm>> -> memref<1x10000x128xf32, #tpu.memory_space<hbm>>
      %dma_start3A_288 = tpu.memref_squeeze %dma_start3A_287 : memref<1x10000x128xf32, #tpu.memory_space<hbm>> -> memref<10000x128xf32, #tpu.memory_space<hbm>>
      %dma_start3A_289 = arith.constant 0 : i32
      %dma_start3A_290 = arith.constant 0 : i32
      %dma_start3A_291 = tpu.memref_slice %dma_start3A_288[%dma_start3A_289, %dma_start3A_290] : memref<10000x128xf32, #tpu.memory_space<hbm>> -> memref<10000x128xf32, #tpu.memory_space<hbm>>
      %dma_start3A_292 = tpu.memref_slice %arg7[%dma_start3A_277] : memref<8x!tpu.dma_semaphore, #tpu.memory_space<semaphore_mem>> -> memref<1x!tpu.dma_semaphore, #tpu.memory_space<semaphore_mem>>
      %dma_start3A_293 = tpu.memref_squeeze %dma_start3A_292 : memref<1x!tpu.dma_semaphore, #tpu.memory_space<semaphore_mem>> -> memref<!tpu.dma_semaphore, #tpu.memory_space<semaphore_mem>>
      tpu.enqueue_indirect_dma source(%dma_start3A_291 : memref<10000x128xf32, #tpu.memory_space<hbm>>) target(%dma_start3A_281 : memref<64x128xf32, #tpu.memory_space<vmem>>) offsets(%dma_start3A_284 : memref<64xi32, #tpu.memory_space<vmem>>) semaphore(%dma_start3A_293 : memref<!tpu.dma_semaphore, #tpu.memory_space<semaphore_mem>>)
      %gt3A_294 = arith.constant 0 : i32
      %gt3A_295 = arith.cmpi sgt, %scan3A_225, %gt3A_294 : i32
      %convert_element_type3A_296 = arith.extui %gt3A_295 : i1 to i32
      %cond3A_297 = arith.constant 0 : i32
      %cond3A_298 = arith.cmpi ne, %convert_element_type3A_296, %cond3A_297 : i32
      scf.if %cond3A_298 {
        %sub3A = arith.constant 1 : i32
        %sub3A_790 = arith.subi %scan3A_225, %sub3A : i32
        %mul3A_791 = arith.constant 64 : i32
        %mul3A_792 = arith.muli %sub3A_790, %mul3A_791 : i32
        %add3A_793 = arith.addi %mul3A_4, %mul3A_792 : i32
        %dma_wait3A_794 = arith.constant 3 : i32
        %dma_wait3A_795 = arith.constant 3 : i32
        %dma_wait3A_796 = arith.constant 3 : i32
        %dma_wait3A_797 = arith.constant 0 : i32
        %dma_wait3A_798 = arith.constant 0 : i32
        %dma_wait3A_799 = tpu.memref_slice %arg6[%dma_wait3A_794, %dma_wait3A_797, %dma_wait3A_798] : memref<8x64x128xf32, #tpu.memory_space<vmem>> -> memref<1x64x128xf32, #tpu.memory_space<vmem>>
        %dma_wait3A_800 = tpu.memref_squeeze %dma_wait3A_799 : memref<1x64x128xf32, #tpu.memory_space<vmem>> -> memref<64x128xf32, #tpu.memory_space<vmem>>
        %dma_wait3A_801 = arith.constant 0 : i32
        %dma_wait3A_802 = arith.constant 0 : i32
        %dma_wait3A_803 = tpu.memref_slice %arg4[%dma_wait3A_795, %dma_wait3A_801, %dma_wait3A_802] : memref<8x163840x128xf32, #tpu.memory_space<hbm>> -> memref<1x163840x128xf32, #tpu.memory_space<hbm>>
        %dma_wait3A_804 = tpu.memref_squeeze %dma_wait3A_803 : memref<1x163840x128xf32, #tpu.memory_space<hbm>> -> memref<163840x128xf32, #tpu.memory_space<hbm>>
        %dma_wait3A_805 = arith.constant 0 : i32
        %dma_wait3A_806 = tpu.memref_slice %dma_wait3A_804[%add3A_793, %dma_wait3A_805] : memref<163840x128xf32, #tpu.memory_space<hbm>> -> memref<64x128xf32, #tpu.memory_space<hbm>>
        %dma_wait3A_807 = tpu.memref_slice %arg8[%dma_wait3A_796] : memref<8x!tpu.dma_semaphore, #tpu.memory_space<semaphore_mem>> -> memref<1x!tpu.dma_semaphore, #tpu.memory_space<semaphore_mem>>
        %dma_wait3A_808 = tpu.memref_squeeze %dma_wait3A_807 : memref<1x!tpu.dma_semaphore, #tpu.memory_space<semaphore_mem>> -> memref<!tpu.dma_semaphore, #tpu.memory_space<semaphore_mem>>
        %dma_wait3A_809 = arith.constant 0 : i32
        %dma_wait3A_810 = arith.constant 0 : i32
        %dma_wait3A_811 = tpu.memref_slice %arg4[%dma_wait3A_795, %dma_wait3A_809, %dma_wait3A_810] : memref<8x163840x128xf32, #tpu.memory_space<hbm>> -> memref<1x163840x128xf32, #tpu.memory_space<hbm>>
        %dma_wait3A_812 = tpu.memref_squeeze %dma_wait3A_811 : memref<1x163840x128xf32, #tpu.memory_space<hbm>> -> memref<163840x128xf32, #tpu.memory_space<hbm>>
        %dma_wait3A_813 = arith.constant 0 : i32
        %dma_wait3A_814 = tpu.memref_slice %dma_wait3A_812[%add3A_793, %dma_wait3A_813] : memref<163840x128xf32, #tpu.memory_space<hbm>> -> memref<64x128xf32, #tpu.memory_space<hbm>>
        %dma_wait3A_815 = arith.constant 0 : i32
        %dma_wait3A_816 = arith.constant 0 : i32
        %dma_wait3A_817 = tpu.memref_slice %arg6[%dma_wait3A_794, %dma_wait3A_815, %dma_wait3A_816] : memref<8x64x128xf32, #tpu.memory_space<vmem>> -> memref<1x64x128xf32, #tpu.memory_space<vmem>>
        %dma_wait3A_818 = tpu.memref_squeeze %dma_wait3A_817 : memref<1x64x128xf32, #tpu.memory_space<vmem>> -> memref<64x128xf32, #tpu.memory_space<vmem>>
        tpu.wait_dma2 semaphore(%dma_wait3A_808 : memref<!tpu.dma_semaphore, #tpu.memory_space<semaphore_mem>>) src(%dma_wait3A_818 : memref<64x128xf32, #tpu.memory_space<vmem>>) dst(%dma_wait3A_814 : memref<64x128xf32, #tpu.memory_space<hbm>>)
      } else {
      }
      %dma_start3A_299 = arith.constant 3 : i32
      %dma_start3A_300 = arith.constant 3 : i32
      %dma_start3A_301 = arith.constant 3 : i32
      %dma_start3A_302 = arith.constant 0 : i32
      %dma_start3A_303 = arith.constant 0 : i32
      %dma_start3A_304 = tpu.memref_slice %arg6[%dma_start3A_300, %dma_start3A_302, %dma_start3A_303] : memref<8x64x128xf32, #tpu.memory_space<vmem>> -> memref<1x64x128xf32, #tpu.memory_space<vmem>>
      %dma_start3A_305 = tpu.memref_squeeze %dma_start3A_304 : memref<1x64x128xf32, #tpu.memory_space<vmem>> -> memref<64x128xf32, #tpu.memory_space<vmem>>
      %dma_start3A_306 = arith.constant 0 : i32
      %dma_start3A_307 = tpu.memref_slice %arg5[%scan3A_225, %dma_start3A_306] : memref<80x64xi32, #tpu.memory_space<vmem>> -> memref<1x64xi32, #tpu.memory_space<vmem>>
      %dma_start3A_308 = tpu.memref_squeeze %dma_start3A_307 : memref<1x64xi32, #tpu.memory_space<vmem>> -> memref<64xi32, #tpu.memory_space<vmem>>
      %dma_start3A_309 = arith.constant 0 : i32
      %dma_start3A_310 = arith.constant 0 : i32
      %dma_start3A_311 = tpu.memref_slice %arg2[%dma_start3A_299, %dma_start3A_309, %dma_start3A_310] : memref<8x10000x128xf32, #tpu.memory_space<hbm>> -> memref<1x10000x128xf32, #tpu.memory_space<hbm>>
      %dma_start3A_312 = tpu.memref_squeeze %dma_start3A_311 : memref<1x10000x128xf32, #tpu.memory_space<hbm>> -> memref<10000x128xf32, #tpu.memory_space<hbm>>
      %dma_start3A_313 = arith.constant 0 : i32
      %dma_start3A_314 = arith.constant 0 : i32
      %dma_start3A_315 = tpu.memref_slice %dma_start3A_312[%dma_start3A_313, %dma_start3A_314] : memref<10000x128xf32, #tpu.memory_space<hbm>> -> memref<10000x128xf32, #tpu.memory_space<hbm>>
      %dma_start3A_316 = tpu.memref_slice %arg7[%dma_start3A_301] : memref<8x!tpu.dma_semaphore, #tpu.memory_space<semaphore_mem>> -> memref<1x!tpu.dma_semaphore, #tpu.memory_space<semaphore_mem>>
      %dma_start3A_317 = tpu.memref_squeeze %dma_start3A_316 : memref<1x!tpu.dma_semaphore, #tpu.memory_space<semaphore_mem>> -> memref<!tpu.dma_semaphore, #tpu.memory_space<semaphore_mem>>
      tpu.enqueue_indirect_dma source(%dma_start3A_315 : memref<10000x128xf32, #tpu.memory_space<hbm>>) target(%dma_start3A_305 : memref<64x128xf32, #tpu.memory_space<vmem>>) offsets(%dma_start3A_308 : memref<64xi32, #tpu.memory_space<vmem>>) semaphore(%dma_start3A_317 : memref<!tpu.dma_semaphore, #tpu.memory_space<semaphore_mem>>)
      %gt3A_318 = arith.constant 0 : i32
      %gt3A_319 = arith.cmpi sgt, %scan3A_225, %gt3A_318 : i32
      %convert_element_type3A_320 = arith.extui %gt3A_319 : i1 to i32
      %cond3A_321 = arith.constant 0 : i32
      %cond3A_322 = arith.cmpi ne, %convert_element_type3A_320, %cond3A_321 : i32
      scf.if %cond3A_322 {
        %sub3A = arith.constant 1 : i32
        %sub3A_790 = arith.subi %scan3A_225, %sub3A : i32
        %mul3A_791 = arith.constant 64 : i32
        %mul3A_792 = arith.muli %sub3A_790, %mul3A_791 : i32
        %add3A_793 = arith.addi %mul3A_4, %mul3A_792 : i32
        %dma_wait3A_794 = arith.constant 4 : i32
        %dma_wait3A_795 = arith.constant 4 : i32
        %dma_wait3A_796 = arith.constant 4 : i32
        %dma_wait3A_797 = arith.constant 0 : i32
        %dma_wait3A_798 = arith.constant 0 : i32
        %dma_wait3A_799 = tpu.memref_slice %arg6[%dma_wait3A_794, %dma_wait3A_797, %dma_wait3A_798] : memref<8x64x128xf32, #tpu.memory_space<vmem>> -> memref<1x64x128xf32, #tpu.memory_space<vmem>>
        %dma_wait3A_800 = tpu.memref_squeeze %dma_wait3A_799 : memref<1x64x128xf32, #tpu.memory_space<vmem>> -> memref<64x128xf32, #tpu.memory_space<vmem>>
        %dma_wait3A_801 = arith.constant 0 : i32
        %dma_wait3A_802 = arith.constant 0 : i32
        %dma_wait3A_803 = tpu.memref_slice %arg4[%dma_wait3A_795, %dma_wait3A_801, %dma_wait3A_802] : memref<8x163840x128xf32, #tpu.memory_space<hbm>> -> memref<1x163840x128xf32, #tpu.memory_space<hbm>>
        %dma_wait3A_804 = tpu.memref_squeeze %dma_wait3A_803 : memref<1x163840x128xf32, #tpu.memory_space<hbm>> -> memref<163840x128xf32, #tpu.memory_space<hbm>>
        %dma_wait3A_805 = arith.constant 0 : i32
        %dma_wait3A_806 = tpu.memref_slice %dma_wait3A_804[%add3A_793, %dma_wait3A_805] : memref<163840x128xf32, #tpu.memory_space<hbm>> -> memref<64x128xf32, #tpu.memory_space<hbm>>
        %dma_wait3A_807 = tpu.memref_slice %arg8[%dma_wait3A_796] : memref<8x!tpu.dma_semaphore, #tpu.memory_space<semaphore_mem>> -> memref<1x!tpu.dma_semaphore, #tpu.memory_space<semaphore_mem>>
        %dma_wait3A_808 = tpu.memref_squeeze %dma_wait3A_807 : memref<1x!tpu.dma_semaphore, #tpu.memory_space<semaphore_mem>> -> memref<!tpu.dma_semaphore, #tpu.memory_space<semaphore_mem>>
        %dma_wait3A_809 = arith.constant 0 : i32
        %dma_wait3A_810 = arith.constant 0 : i32
        %dma_wait3A_811 = tpu.memref_slice %arg4[%dma_wait3A_795, %dma_wait3A_809, %dma_wait3A_810] : memref<8x163840x128xf32, #tpu.memory_space<hbm>> -> memref<1x163840x128xf32, #tpu.memory_space<hbm>>
        %dma_wait3A_812 = tpu.memref_squeeze %dma_wait3A_811 : memref<1x163840x128xf32, #tpu.memory_space<hbm>> -> memref<163840x128xf32, #tpu.memory_space<hbm>>
        %dma_wait3A_813 = arith.constant 0 : i32
        %dma_wait3A_814 = tpu.memref_slice %dma_wait3A_812[%add3A_793, %dma_wait3A_813] : memref<163840x128xf32, #tpu.memory_space<hbm>> -> memref<64x128xf32, #tpu.memory_space<hbm>>
        %dma_wait3A_815 = arith.constant 0 : i32
        %dma_wait3A_816 = arith.constant 0 : i32
        %dma_wait3A_817 = tpu.memref_slice %arg6[%dma_wait3A_794, %dma_wait3A_815, %dma_wait3A_816] : memref<8x64x128xf32, #tpu.memory_space<vmem>> -> memref<1x64x128xf32, #tpu.memory_space<vmem>>
        %dma_wait3A_818 = tpu.memref_squeeze %dma_wait3A_817 : memref<1x64x128xf32, #tpu.memory_space<vmem>> -> memref<64x128xf32, #tpu.memory_space<vmem>>
        tpu.wait_dma2 semaphore(%dma_wait3A_808 : memref<!tpu.dma_semaphore, #tpu.memory_space<semaphore_mem>>) src(%dma_wait3A_818 : memref<64x128xf32, #tpu.memory_space<vmem>>) dst(%dma_wait3A_814 : memref<64x128xf32, #tpu.memory_space<hbm>>)
      } else {
      }
      %dma_start3A_323 = arith.constant 4 : i32
      %dma_start3A_324 = arith.constant 4 : i32
      %dma_start3A_325 = arith.constant 4 : i32
      %dma_start3A_326 = arith.constant 0 : i32
      %dma_start3A_327 = arith.constant 0 : i32
      %dma_start3A_328 = tpu.memref_slice %arg6[%dma_start3A_324, %dma_start3A_326, %dma_start3A_327] : memref<8x64x128xf32, #tpu.memory_space<vmem>> -> memref<1x64x128xf32, #tpu.memory_space<vmem>>
      %dma_start3A_329 = tpu.memref_squeeze %dma_start3A_328 : memref<1x64x128xf32, #tpu.memory_space<vmem>> -> memref<64x128xf32, #tpu.memory_space<vmem>>
      %dma_start3A_330 = arith.constant 0 : i32
      %dma_start3A_331 = tpu.memref_slice %arg5[%scan3A_225, %dma_start3A_330] : memref<80x64xi32, #tpu.memory_space<vmem>> -> memref<1x64xi32, #tpu.memory_space<vmem>>
      %dma_start3A_332 = tpu.memref_squeeze %dma_start3A_331 : memref<1x64xi32, #tpu.memory_space<vmem>> -> memref<64xi32, #tpu.memory_space<vmem>>
      %dma_start3A_333 = arith.constant 0 : i32
      %dma_start3A_334 = arith.constant 0 : i32
      %dma_start3A_335 = tpu.memref_slice %arg2[%dma_start3A_323, %dma_start3A_333, %dma_start3A_334] : memref<8x10000x128xf32, #tpu.memory_space<hbm>> -> memref<1x10000x128xf32, #tpu.memory_space<hbm>>
      %dma_start3A_336 = tpu.memref_squeeze %dma_start3A_335 : memref<1x10000x128xf32, #tpu.memory_space<hbm>> -> memref<10000x128xf32, #tpu.memory_space<hbm>>
      %dma_start3A_337 = arith.constant 0 : i32
      %dma_start3A_338 = arith.constant 0 : i32
      %dma_start3A_339 = tpu.memref_slice %dma_start3A_336[%dma_start3A_337, %dma_start3A_338] : memref<10000x128xf32, #tpu.memory_space<hbm>> -> memref<10000x128xf32, #tpu.memory_space<hbm>>
      %dma_start3A_340 = tpu.memref_slice %arg7[%dma_start3A_325] : memref<8x!tpu.dma_semaphore, #tpu.memory_space<semaphore_mem>> -> memref<1x!tpu.dma_semaphore, #tpu.memory_space<semaphore_mem>>
      %dma_start3A_341 = tpu.memref_squeeze %dma_start3A_340 : memref<1x!tpu.dma_semaphore, #tpu.memory_space<semaphore_mem>> -> memref<!tpu.dma_semaphore, #tpu.memory_space<semaphore_mem>>
      tpu.enqueue_indirect_dma source(%dma_start3A_339 : memref<10000x128xf32, #tpu.memory_space<hbm>>) target(%dma_start3A_329 : memref<64x128xf32, #tpu.memory_space<vmem>>) offsets(%dma_start3A_332 : memref<64xi32, #tpu.memory_space<vmem>>) semaphore(%dma_start3A_341 : memref<!tpu.dma_semaphore, #tpu.memory_space<semaphore_mem>>)
      %gt3A_342 = arith.constant 0 : i32
      %gt3A_343 = arith.cmpi sgt, %scan3A_225, %gt3A_342 : i32
      %convert_element_type3A_344 = arith.extui %gt3A_343 : i1 to i32
      %cond3A_345 = arith.constant 0 : i32
      %cond3A_346 = arith.cmpi ne, %convert_element_type3A_344, %cond3A_345 : i32
      scf.if %cond3A_346 {
        %sub3A = arith.constant 1 : i32
        %sub3A_790 = arith.subi %scan3A_225, %sub3A : i32
        %mul3A_791 = arith.constant 64 : i32
        %mul3A_792 = arith.muli %sub3A_790, %mul3A_791 : i32
        %add3A_793 = arith.addi %mul3A_4, %mul3A_792 : i32
        %dma_wait3A_794 = arith.constant 5 : i32
        %dma_wait3A_795 = arith.constant 5 : i32
        %dma_wait3A_796 = arith.constant 5 : i32
        %dma_wait3A_797 = arith.constant 0 : i32
        %dma_wait3A_798 = arith.constant 0 : i32
        %dma_wait3A_799 = tpu.memref_slice %arg6[%dma_wait3A_794, %dma_wait3A_797, %dma_wait3A_798] : memref<8x64x128xf32, #tpu.memory_space<vmem>> -> memref<1x64x128xf32, #tpu.memory_space<vmem>>
        %dma_wait3A_800 = tpu.memref_squeeze %dma_wait3A_799 : memref<1x64x128xf32, #tpu.memory_space<vmem>> -> memref<64x128xf32, #tpu.memory_space<vmem>>
        %dma_wait3A_801 = arith.constant 0 : i32
        %dma_wait3A_802 = arith.constant 0 : i32
        %dma_wait3A_803 = tpu.memref_slice %arg4[%dma_wait3A_795, %dma_wait3A_801, %dma_wait3A_802] : memref<8x163840x128xf32, #tpu.memory_space<hbm>> -> memref<1x163840x128xf32, #tpu.memory_space<hbm>>
        %dma_wait3A_804 = tpu.memref_squeeze %dma_wait3A_803 : memref<1x163840x128xf32, #tpu.memory_space<hbm>> -> memref<163840x128xf32, #tpu.memory_space<hbm>>
        %dma_wait3A_805 = arith.constant 0 : i32
        %dma_wait3A_806 = tpu.memref_slice %dma_wait3A_804[%add3A_793, %dma_wait3A_805] : memref<163840x128xf32, #tpu.memory_space<hbm>> -> memref<64x128xf32, #tpu.memory_space<hbm>>
        %dma_wait3A_807 = tpu.memref_slice %arg8[%dma_wait3A_796] : memref<8x!tpu.dma_semaphore, #tpu.memory_space<semaphore_mem>> -> memref<1x!tpu.dma_semaphore, #tpu.memory_space<semaphore_mem>>
        %dma_wait3A_808 = tpu.memref_squeeze %dma_wait3A_807 : memref<1x!tpu.dma_semaphore, #tpu.memory_space<semaphore_mem>> -> memref<!tpu.dma_semaphore, #tpu.memory_space<semaphore_mem>>
        %dma_wait3A_809 = arith.constant 0 : i32
        %dma_wait3A_810 = arith.constant 0 : i32
        %dma_wait3A_811 = tpu.memref_slice %arg4[%dma_wait3A_795, %dma_wait3A_809, %dma_wait3A_810] : memref<8x163840x128xf32, #tpu.memory_space<hbm>> -> memref<1x163840x128xf32, #tpu.memory_space<hbm>>
        %dma_wait3A_812 = tpu.memref_squeeze %dma_wait3A_811 : memref<1x163840x128xf32, #tpu.memory_space<hbm>> -> memref<163840x128xf32, #tpu.memory_space<hbm>>
        %dma_wait3A_813 = arith.constant 0 : i32
        %dma_wait3A_814 = tpu.memref_slice %dma_wait3A_812[%add3A_793, %dma_wait3A_813] : memref<163840x128xf32, #tpu.memory_space<hbm>> -> memref<64x128xf32, #tpu.memory_space<hbm>>
        %dma_wait3A_815 = arith.constant 0 : i32
        %dma_wait3A_816 = arith.constant 0 : i32
        %dma_wait3A_817 = tpu.memref_slice %arg6[%dma_wait3A_794, %dma_wait3A_815, %dma_wait3A_816] : memref<8x64x128xf32, #tpu.memory_space<vmem>> -> memref<1x64x128xf32, #tpu.memory_space<vmem>>
        %dma_wait3A_818 = tpu.memref_squeeze %dma_wait3A_817 : memref<1x64x128xf32, #tpu.memory_space<vmem>> -> memref<64x128xf32, #tpu.memory_space<vmem>>
        tpu.wait_dma2 semaphore(%dma_wait3A_808 : memref<!tpu.dma_semaphore, #tpu.memory_space<semaphore_mem>>) src(%dma_wait3A_818 : memref<64x128xf32, #tpu.memory_space<vmem>>) dst(%dma_wait3A_814 : memref<64x128xf32, #tpu.memory_space<hbm>>)
      } else {
      }
      %dma_start3A_347 = arith.constant 5 : i32
      %dma_start3A_348 = arith.constant 5 : i32
      %dma_start3A_349 = arith.constant 5 : i32
      %dma_start3A_350 = arith.constant 0 : i32
      %dma_start3A_351 = arith.constant 0 : i32
      %dma_start3A_352 = tpu.memref_slice %arg6[%dma_start3A_348, %dma_start3A_350, %dma_start3A_351] : memref<8x64x128xf32, #tpu.memory_space<vmem>> -> memref<1x64x128xf32, #tpu.memory_space<vmem>>
      %dma_start3A_353 = tpu.memref_squeeze %dma_start3A_352 : memref<1x64x128xf32, #tpu.memory_space<vmem>> -> memref<64x128xf32, #tpu.memory_space<vmem>>
      %dma_start3A_354 = arith.constant 0 : i32
      %dma_start3A_355 = tpu.memref_slice %arg5[%scan3A_225, %dma_start3A_354] : memref<80x64xi32, #tpu.memory_space<vmem>> -> memref<1x64xi32, #tpu.memory_space<vmem>>
      %dma_start3A_356 = tpu.memref_squeeze %dma_start3A_355 : memref<1x64xi32, #tpu.memory_space<vmem>> -> memref<64xi32, #tpu.memory_space<vmem>>
      %dma_start3A_357 = arith.constant 0 : i32
      %dma_start3A_358 = arith.constant 0 : i32
      %dma_start3A_359 = tpu.memref_slice %arg2[%dma_start3A_347, %dma_start3A_357, %dma_start3A_358] : memref<8x10000x128xf32, #tpu.memory_space<hbm>> -> memref<1x10000x128xf32, #tpu.memory_space<hbm>>
      %dma_start3A_360 = tpu.memref_squeeze %dma_start3A_359 : memref<1x10000x128xf32, #tpu.memory_space<hbm>> -> memref<10000x128xf32, #tpu.memory_space<hbm>>
      %dma_start3A_361 = arith.constant 0 : i32
      %dma_start3A_362 = arith.constant 0 : i32
      %dma_start3A_363 = tpu.memref_slice %dma_start3A_360[%dma_start3A_361, %dma_start3A_362] : memref<10000x128xf32, #tpu.memory_space<hbm>> -> memref<10000x128xf32, #tpu.memory_space<hbm>>
      %dma_start3A_364 = tpu.memref_slice %arg7[%dma_start3A_349] : memref<8x!tpu.dma_semaphore, #tpu.memory_space<semaphore_mem>> -> memref<1x!tpu.dma_semaphore, #tpu.memory_space<semaphore_mem>>
      %dma_start3A_365 = tpu.memref_squeeze %dma_start3A_364 : memref<1x!tpu.dma_semaphore, #tpu.memory_space<semaphore_mem>> -> memref<!tpu.dma_semaphore, #tpu.memory_space<semaphore_mem>>
      tpu.enqueue_indirect_dma source(%dma_start3A_363 : memref<10000x128xf32, #tpu.memory_space<hbm>>) target(%dma_start3A_353 : memref<64x128xf32, #tpu.memory_space<vmem>>) offsets(%dma_start3A_356 : memref<64xi32, #tpu.memory_space<vmem>>) semaphore(%dma_start3A_365 : memref<!tpu.dma_semaphore, #tpu.memory_space<semaphore_mem>>)
      %gt3A_366 = arith.constant 0 : i32
      %gt3A_367 = arith.cmpi sgt, %scan3A_225, %gt3A_366 : i32
      %convert_element_type3A_368 = arith.extui %gt3A_367 : i1 to i32
      %cond3A_369 = arith.constant 0 : i32
      %cond3A_370 = arith.cmpi ne, %convert_element_type3A_368, %cond3A_369 : i32
      scf.if %cond3A_370 {
        %sub3A = arith.constant 1 : i32
        %sub3A_790 = arith.subi %scan3A_225, %sub3A : i32
        %mul3A_791 = arith.constant 64 : i32
        %mul3A_792 = arith.muli %sub3A_790, %mul3A_791 : i32
        %add3A_793 = arith.addi %mul3A_4, %mul3A_792 : i32
        %dma_wait3A_794 = arith.constant 6 : i32
        %dma_wait3A_795 = arith.constant 6 : i32
        %dma_wait3A_796 = arith.constant 6 : i32
        %dma_wait3A_797 = arith.constant 0 : i32
        %dma_wait3A_798 = arith.constant 0 : i32
        %dma_wait3A_799 = tpu.memref_slice %arg6[%dma_wait3A_794, %dma_wait3A_797, %dma_wait3A_798] : memref<8x64x128xf32, #tpu.memory_space<vmem>> -> memref<1x64x128xf32, #tpu.memory_space<vmem>>
        %dma_wait3A_800 = tpu.memref_squeeze %dma_wait3A_799 : memref<1x64x128xf32, #tpu.memory_space<vmem>> -> memref<64x128xf32, #tpu.memory_space<vmem>>
        %dma_wait3A_801 = arith.constant 0 : i32
        %dma_wait3A_802 = arith.constant 0 : i32
        %dma_wait3A_803 = tpu.memref_slice %arg4[%dma_wait3A_795, %dma_wait3A_801, %dma_wait3A_802] : memref<8x163840x128xf32, #tpu.memory_space<hbm>> -> memref<1x163840x128xf32, #tpu.memory_space<hbm>>
        %dma_wait3A_804 = tpu.memref_squeeze %dma_wait3A_803 : memref<1x163840x128xf32, #tpu.memory_space<hbm>> -> memref<163840x128xf32, #tpu.memory_space<hbm>>
        %dma_wait3A_805 = arith.constant 0 : i32
        %dma_wait3A_806 = tpu.memref_slice %dma_wait3A_804[%add3A_793, %dma_wait3A_805] : memref<163840x128xf32, #tpu.memory_space<hbm>> -> memref<64x128xf32, #tpu.memory_space<hbm>>
        %dma_wait3A_807 = tpu.memref_slice %arg8[%dma_wait3A_796] : memref<8x!tpu.dma_semaphore, #tpu.memory_space<semaphore_mem>> -> memref<1x!tpu.dma_semaphore, #tpu.memory_space<semaphore_mem>>
        %dma_wait3A_808 = tpu.memref_squeeze %dma_wait3A_807 : memref<1x!tpu.dma_semaphore, #tpu.memory_space<semaphore_mem>> -> memref<!tpu.dma_semaphore, #tpu.memory_space<semaphore_mem>>
        %dma_wait3A_809 = arith.constant 0 : i32
        %dma_wait3A_810 = arith.constant 0 : i32
        %dma_wait3A_811 = tpu.memref_slice %arg4[%dma_wait3A_795, %dma_wait3A_809, %dma_wait3A_810] : memref<8x163840x128xf32, #tpu.memory_space<hbm>> -> memref<1x163840x128xf32, #tpu.memory_space<hbm>>
        %dma_wait3A_812 = tpu.memref_squeeze %dma_wait3A_811 : memref<1x163840x128xf32, #tpu.memory_space<hbm>> -> memref<163840x128xf32, #tpu.memory_space<hbm>>
        %dma_wait3A_813 = arith.constant 0 : i32
        %dma_wait3A_814 = tpu.memref_slice %dma_wait3A_812[%add3A_793, %dma_wait3A_813] : memref<163840x128xf32, #tpu.memory_space<hbm>> -> memref<64x128xf32, #tpu.memory_space<hbm>>
        %dma_wait3A_815 = arith.constant 0 : i32
        %dma_wait3A_816 = arith.constant 0 : i32
        %dma_wait3A_817 = tpu.memref_slice %arg6[%dma_wait3A_794, %dma_wait3A_815, %dma_wait3A_816] : memref<8x64x128xf32, #tpu.memory_space<vmem>> -> memref<1x64x128xf32, #tpu.memory_space<vmem>>
        %dma_wait3A_818 = tpu.memref_squeeze %dma_wait3A_817 : memref<1x64x128xf32, #tpu.memory_space<vmem>> -> memref<64x128xf32, #tpu.memory_space<vmem>>
        tpu.wait_dma2 semaphore(%dma_wait3A_808 : memref<!tpu.dma_semaphore, #tpu.memory_space<semaphore_mem>>) src(%dma_wait3A_818 : memref<64x128xf32, #tpu.memory_space<vmem>>) dst(%dma_wait3A_814 : memref<64x128xf32, #tpu.memory_space<hbm>>)
      } else {
      }
      %dma_start3A_371 = arith.constant 6 : i32
      %dma_start3A_372 = arith.constant 6 : i32
      %dma_start3A_373 = arith.constant 6 : i32
      %dma_start3A_374 = arith.constant 0 : i32
      %dma_start3A_375 = arith.constant 0 : i32
      %dma_start3A_376 = tpu.memref_slice %arg6[%dma_start3A_372, %dma_start3A_374, %dma_start3A_375] : memref<8x64x128xf32, #tpu.memory_space<vmem>> -> memref<1x64x128xf32, #tpu.memory_space<vmem>>
      %dma_start3A_377 = tpu.memref_squeeze %dma_start3A_376 : memref<1x64x128xf32, #tpu.memory_space<vmem>> -> memref<64x128xf32, #tpu.memory_space<vmem>>
      %dma_start3A_378 = arith.constant 0 : i32
      %dma_start3A_379 = tpu.memref_slice %arg5[%scan3A_225, %dma_start3A_378] : memref<80x64xi32, #tpu.memory_space<vmem>> -> memref<1x64xi32, #tpu.memory_space<vmem>>
      %dma_start3A_380 = tpu.memref_squeeze %dma_start3A_379 : memref<1x64xi32, #tpu.memory_space<vmem>> -> memref<64xi32, #tpu.memory_space<vmem>>
      %dma_start3A_381 = arith.constant 0 : i32
      %dma_start3A_382 = arith.constant 0 : i32
      %dma_start3A_383 = tpu.memref_slice %arg2[%dma_start3A_371, %dma_start3A_381, %dma_start3A_382] : memref<8x10000x128xf32, #tpu.memory_space<hbm>> -> memref<1x10000x128xf32, #tpu.memory_space<hbm>>
      %dma_start3A_384 = tpu.memref_squeeze %dma_start3A_383 : memref<1x10000x128xf32, #tpu.memory_space<hbm>> -> memref<10000x128xf32, #tpu.memory_space<hbm>>
      %dma_start3A_385 = arith.constant 0 : i32
      %dma_start3A_386 = arith.constant 0 : i32
      %dma_start3A_387 = tpu.memref_slice %dma_start3A_384[%dma_start3A_385, %dma_start3A_386] : memref<10000x128xf32, #tpu.memory_space<hbm>> -> memref<10000x128xf32, #tpu.memory_space<hbm>>
      %dma_start3A_388 = tpu.memref_slice %arg7[%dma_start3A_373] : memref<8x!tpu.dma_semaphore, #tpu.memory_space<semaphore_mem>> -> memref<1x!tpu.dma_semaphore, #tpu.memory_space<semaphore_mem>>
      %dma_start3A_389 = tpu.memref_squeeze %dma_start3A_388 : memref<1x!tpu.dma_semaphore, #tpu.memory_space<semaphore_mem>> -> memref<!tpu.dma_semaphore, #tpu.memory_space<semaphore_mem>>
      tpu.enqueue_indirect_dma source(%dma_start3A_387 : memref<10000x128xf32, #tpu.memory_space<hbm>>) target(%dma_start3A_377 : memref<64x128xf32, #tpu.memory_space<vmem>>) offsets(%dma_start3A_380 : memref<64xi32, #tpu.memory_space<vmem>>) semaphore(%dma_start3A_389 : memref<!tpu.dma_semaphore, #tpu.memory_space<semaphore_mem>>)
      %gt3A_390 = arith.constant 0 : i32
      %gt3A_391 = arith.cmpi sgt, %scan3A_225, %gt3A_390 : i32
      %convert_element_type3A_392 = arith.extui %gt3A_391 : i1 to i32
      %cond3A_393 = arith.constant 0 : i32
      %cond3A_394 = arith.cmpi ne, %convert_element_type3A_392, %cond3A_393 : i32
      scf.if %cond3A_394 {
        %sub3A = arith.constant 1 : i32
        %sub3A_790 = arith.subi %scan3A_225, %sub3A : i32
        %mul3A_791 = arith.constant 64 : i32
        %mul3A_792 = arith.muli %sub3A_790, %mul3A_791 : i32
        %add3A_793 = arith.addi %mul3A_4, %mul3A_792 : i32
        %dma_wait3A_794 = arith.constant 7 : i32
        %dma_wait3A_795 = arith.constant 7 : i32
        %dma_wait3A_796 = arith.constant 7 : i32
        %dma_wait3A_797 = arith.constant 0 : i32
        %dma_wait3A_798 = arith.constant 0 : i32
        %dma_wait3A_799 = tpu.memref_slice %arg6[%dma_wait3A_794, %dma_wait3A_797, %dma_wait3A_798] : memref<8x64x128xf32, #tpu.memory_space<vmem>> -> memref<1x64x128xf32, #tpu.memory_space<vmem>>
        %dma_wait3A_800 = tpu.memref_squeeze %dma_wait3A_799 : memref<1x64x128xf32, #tpu.memory_space<vmem>> -> memref<64x128xf32, #tpu.memory_space<vmem>>
        %dma_wait3A_801 = arith.constant 0 : i32
        %dma_wait3A_802 = arith.constant 0 : i32
        %dma_wait3A_803 = tpu.memref_slice %arg4[%dma_wait3A_795, %dma_wait3A_801, %dma_wait3A_802] : memref<8x163840x128xf32, #tpu.memory_space<hbm>> -> memref<1x163840x128xf32, #tpu.memory_space<hbm>>
        %dma_wait3A_804 = tpu.memref_squeeze %dma_wait3A_803 : memref<1x163840x128xf32, #tpu.memory_space<hbm>> -> memref<163840x128xf32, #tpu.memory_space<hbm>>
        %dma_wait3A_805 = arith.constant 0 : i32
        %dma_wait3A_806 = tpu.memref_slice %dma_wait3A_804[%add3A_793, %dma_wait3A_805] : memref<163840x128xf32, #tpu.memory_space<hbm>> -> memref<64x128xf32, #tpu.memory_space<hbm>>
        %dma_wait3A_807 = tpu.memref_slice %arg8[%dma_wait3A_796] : memref<8x!tpu.dma_semaphore, #tpu.memory_space<semaphore_mem>> -> memref<1x!tpu.dma_semaphore, #tpu.memory_space<semaphore_mem>>
        %dma_wait3A_808 = tpu.memref_squeeze %dma_wait3A_807 : memref<1x!tpu.dma_semaphore, #tpu.memory_space<semaphore_mem>> -> memref<!tpu.dma_semaphore, #tpu.memory_space<semaphore_mem>>
        %dma_wait3A_809 = arith.constant 0 : i32
        %dma_wait3A_810 = arith.constant 0 : i32
        %dma_wait3A_811 = tpu.memref_slice %arg4[%dma_wait3A_795, %dma_wait3A_809, %dma_wait3A_810] : memref<8x163840x128xf32, #tpu.memory_space<hbm>> -> memref<1x163840x128xf32, #tpu.memory_space<hbm>>
        %dma_wait3A_812 = tpu.memref_squeeze %dma_wait3A_811 : memref<1x163840x128xf32, #tpu.memory_space<hbm>> -> memref<163840x128xf32, #tpu.memory_space<hbm>>
        %dma_wait3A_813 = arith.constant 0 : i32
        %dma_wait3A_814 = tpu.memref_slice %dma_wait3A_812[%add3A_793, %dma_wait3A_813] : memref<163840x128xf32, #tpu.memory_space<hbm>> -> memref<64x128xf32, #tpu.memory_space<hbm>>
        %dma_wait3A_815 = arith.constant 0 : i32
        %dma_wait3A_816 = arith.constant 0 : i32
        %dma_wait3A_817 = tpu.memref_slice %arg6[%dma_wait3A_794, %dma_wait3A_815, %dma_wait3A_816] : memref<8x64x128xf32, #tpu.memory_space<vmem>> -> memref<1x64x128xf32, #tpu.memory_space<vmem>>
        %dma_wait3A_818 = tpu.memref_squeeze %dma_wait3A_817 : memref<1x64x128xf32, #tpu.memory_space<vmem>> -> memref<64x128xf32, #tpu.memory_space<vmem>>
        tpu.wait_dma2 semaphore(%dma_wait3A_808 : memref<!tpu.dma_semaphore, #tpu.memory_space<semaphore_mem>>) src(%dma_wait3A_818 : memref<64x128xf32, #tpu.memory_space<vmem>>) dst(%dma_wait3A_814 : memref<64x128xf32, #tpu.memory_space<hbm>>)
      } else {
      }
      %dma_start3A_395 = arith.constant 7 : i32
      %dma_start3A_396 = arith.constant 7 : i32
      %dma_start3A_397 = arith.constant 7 : i32
      %dma_start3A_398 = arith.constant 0 : i32
      %dma_start3A_399 = arith.constant 0 : i32
      %dma_start3A_400 = tpu.memref_slice %arg6[%dma_start3A_396, %dma_start3A_398, %dma_start3A_399] : memref<8x64x128xf32, #tpu.memory_space<vmem>> -> memref<1x64x128xf32, #tpu.memory_space<vmem>>
      %dma_start3A_401 = tpu.memref_squeeze %dma_start3A_400 : memref<1x64x128xf32, #tpu.memory_space<vmem>> -> memref<64x128xf32, #tpu.memory_space<vmem>>
      %dma_start3A_402 = arith.constant 0 : i32
      %dma_start3A_403 = tpu.memref_slice %arg5[%scan3A_225, %dma_start3A_402] : memref<80x64xi32, #tpu.memory_space<vmem>> -> memref<1x64xi32, #tpu.memory_space<vmem>>
      %dma_start3A_404 = tpu.memref_squeeze %dma_start3A_403 : memref<1x64xi32, #tpu.memory_space<vmem>> -> memref<64xi32, #tpu.memory_space<vmem>>
      %dma_start3A_405 = arith.constant 0 : i32
      %dma_start3A_406 = arith.constant 0 : i32
      %dma_start3A_407 = tpu.memref_slice %arg2[%dma_start3A_395, %dma_start3A_405, %dma_start3A_406] : memref<8x10000x128xf32, #tpu.memory_space<hbm>> -> memref<1x10000x128xf32, #tpu.memory_space<hbm>>
      %dma_start3A_408 = tpu.memref_squeeze %dma_start3A_407 : memref<1x10000x128xf32, #tpu.memory_space<hbm>> -> memref<10000x128xf32, #tpu.memory_space<hbm>>
      %dma_start3A_409 = arith.constant 0 : i32
      %dma_start3A_410 = arith.constant 0 : i32
      %dma_start3A_411 = tpu.memref_slice %dma_start3A_408[%dma_start3A_409, %dma_start3A_410] : memref<10000x128xf32, #tpu.memory_space<hbm>> -> memref<10000x128xf32, #tpu.memory_space<hbm>>
      %dma_start3A_412 = tpu.memref_slice %arg7[%dma_start3A_397] : memref<8x!tpu.dma_semaphore, #tpu.memory_space<semaphore_mem>> -> memref<1x!tpu.dma_semaphore, #tpu.memory_space<semaphore_mem>>
      %dma_start3A_413 = tpu.memref_squeeze %dma_start3A_412 : memref<1x!tpu.dma_semaphore, #tpu.memory_space<semaphore_mem>> -> memref<!tpu.dma_semaphore, #tpu.memory_space<semaphore_mem>>
      tpu.enqueue_indirect_dma source(%dma_start3A_411 : memref<10000x128xf32, #tpu.memory_space<hbm>>) target(%dma_start3A_401 : memref<64x128xf32, #tpu.memory_space<vmem>>) offsets(%dma_start3A_404 : memref<64xi32, #tpu.memory_space<vmem>>) semaphore(%dma_start3A_413 : memref<!tpu.dma_semaphore, #tpu.memory_space<semaphore_mem>>)
      %dma_wait3A_414 = arith.constant 0 : i32
      %dma_wait3A_415 = arith.constant 0 : i32
      %dma_wait3A_416 = arith.constant 0 : i32
      %dma_wait3A_417 = arith.constant 0 : i32
      %dma_wait3A_418 = arith.constant 0 : i32
      %dma_wait3A_419 = tpu.memref_slice %arg6[%dma_wait3A_415, %dma_wait3A_417, %dma_wait3A_418] : memref<8x64x128xf32, #tpu.memory_space<vmem>> -> memref<1x64x128xf32, #tpu.memory_space<vmem>>
      %dma_wait3A_420 = tpu.memref_squeeze %dma_wait3A_419 : memref<1x64x128xf32, #tpu.memory_space<vmem>> -> memref<64x128xf32, #tpu.memory_space<vmem>>
      %dma_wait3A_421 = arith.constant 0 : i32
      %dma_wait3A_422 = tpu.memref_slice %arg5[%scan3A_225, %dma_wait3A_421] : memref<80x64xi32, #tpu.memory_space<vmem>> -> memref<1x64xi32, #tpu.memory_space<vmem>>
      %dma_wait3A_423 = tpu.memref_squeeze %dma_wait3A_422 : memref<1x64xi32, #tpu.memory_space<vmem>> -> memref<64xi32, #tpu.memory_space<vmem>>
      %dma_wait3A_424 = arith.constant 0 : i32
      %dma_wait3A_425 = arith.constant 0 : i32
      %dma_wait3A_426 = tpu.memref_slice %arg2[%dma_wait3A_414, %dma_wait3A_424, %dma_wait3A_425] : memref<8x10000x128xf32, #tpu.memory_space<hbm>> -> memref<1x10000x128xf32, #tpu.memory_space<hbm>>
      %dma_wait3A_427 = tpu.memref_squeeze %dma_wait3A_426 : memref<1x10000x128xf32, #tpu.memory_space<hbm>> -> memref<10000x128xf32, #tpu.memory_space<hbm>>
      %dma_wait3A_428 = arith.constant 0 : i32
      %dma_wait3A_429 = arith.constant 0 : i32
      %dma_wait3A_430 = tpu.memref_slice %dma_wait3A_427[%dma_wait3A_428, %dma_wait3A_429] : memref<10000x128xf32, #tpu.memory_space<hbm>> -> memref<10000x128xf32, #tpu.memory_space<hbm>>
      %dma_wait3A_431 = tpu.memref_slice %arg7[%dma_wait3A_416] : memref<8x!tpu.dma_semaphore, #tpu.memory_space<semaphore_mem>> -> memref<1x!tpu.dma_semaphore, #tpu.memory_space<semaphore_mem>>
      %dma_wait3A_432 = tpu.memref_squeeze %dma_wait3A_431 : memref<1x!tpu.dma_semaphore, #tpu.memory_space<semaphore_mem>> -> memref<!tpu.dma_semaphore, #tpu.memory_space<semaphore_mem>>
      tpu.wait_indirect_dma semaphore(%dma_wait3A_432 : memref<!tpu.dma_semaphore, #tpu.memory_space<semaphore_mem>>) src(%dma_wait3A_430 : memref<10000x128xf32, #tpu.memory_space<hbm>>) dst(%dma_wait3A_420 : memref<64x128xf32, #tpu.memory_space<vmem>>)
      %mul3A_433 = arith.constant 64 : i32
      %mul3A_434 = arith.muli %scan3A_225, %mul3A_433 : i32
      %add3A_435 = arith.addi %mul3A_4, %mul3A_434 : i32
      %dma_start3A_436 = arith.constant 0 : i32
      %dma_start3A_437 = arith.constant 0 : i32
      %dma_start3A_438 = arith.constant 0 : i32
      %dma_start3A_439 = arith.constant 0 : i32
      %dma_start3A_440 = arith.constant 0 : i32
      %dma_start3A_441 = tpu.memref_slice %arg6[%dma_start3A_436, %dma_start3A_439, %dma_start3A_440] : memref<8x64x128xf32, #tpu.memory_space<vmem>> -> memref<1x64x128xf32, #tpu.memory_space<vmem>>
      %dma_start3A_442 = tpu.memref_squeeze %dma_start3A_441 : memref<1x64x128xf32, #tpu.memory_space<vmem>> -> memref<64x128xf32, #tpu.memory_space<vmem>>
      %dma_start3A_443 = arith.constant 0 : i32
      %dma_start3A_444 = arith.constant 0 : i32
      %dma_start3A_445 = tpu.memref_slice %arg4[%dma_start3A_437, %dma_start3A_443, %dma_start3A_444] : memref<8x163840x128xf32, #tpu.memory_space<hbm>> -> memref<1x163840x128xf32, #tpu.memory_space<hbm>>
      %dma_start3A_446 = tpu.memref_squeeze %dma_start3A_445 : memref<1x163840x128xf32, #tpu.memory_space<hbm>> -> memref<163840x128xf32, #tpu.memory_space<hbm>>
      %dma_start3A_447 = arith.constant 0 : i32
      %dma_start3A_448 = tpu.memref_slice %dma_start3A_446[%add3A_435, %dma_start3A_447] : memref<163840x128xf32, #tpu.memory_space<hbm>> -> memref<64x128xf32, #tpu.memory_space<hbm>>
      %dma_start3A_449 = tpu.memref_slice %arg8[%dma_start3A_438] : memref<8x!tpu.dma_semaphore, #tpu.memory_space<semaphore_mem>> -> memref<1x!tpu.dma_semaphore, #tpu.memory_space<semaphore_mem>>
      %dma_start3A_450 = tpu.memref_squeeze %dma_start3A_449 : memref<1x!tpu.dma_semaphore, #tpu.memory_space<semaphore_mem>> -> memref<!tpu.dma_semaphore, #tpu.memory_space<semaphore_mem>>
      %dma_start3A_451 = arith.constant 0 : i32
      %dma_start3A_452 = arith.constant 0 : i32
      %dma_start3A_453 = tpu.memref_slice %arg4[%dma_start3A_437, %dma_start3A_451, %dma_start3A_452] : memref<8x163840x128xf32, #tpu.memory_space<hbm>> -> memref<1x163840x128xf32, #tpu.memory_space<hbm>>
      %dma_start3A_454 = tpu.memref_squeeze %dma_start3A_453 : memref<1x163840x128xf32, #tpu.memory_space<hbm>> -> memref<163840x128xf32, #tpu.memory_space<hbm>>
      %dma_start3A_455 = arith.constant 0 : i32
      %dma_start3A_456 = tpu.memref_slice %dma_start3A_454[%add3A_435, %dma_start3A_455] : memref<163840x128xf32, #tpu.memory_space<hbm>> -> memref<64x128xf32, #tpu.memory_space<hbm>>
      %dma_start3A_457 = arith.constant 0 : i32
      %dma_start3A_458 = arith.constant 0 : i32
      %dma_start3A_459 = tpu.memref_slice %arg6[%dma_start3A_436, %dma_start3A_457, %dma_start3A_458] : memref<8x64x128xf32, #tpu.memory_space<vmem>> -> memref<1x64x128xf32, #tpu.memory_space<vmem>>
      %dma_start3A_460 = tpu.memref_squeeze %dma_start3A_459 : memref<1x64x128xf32, #tpu.memory_space<vmem>> -> memref<64x128xf32, #tpu.memory_space<vmem>>
      tpu.enqueue_dma source(%dma_start3A_460 : memref<64x128xf32, #tpu.memory_space<vmem>>) target(%dma_start3A_456 : memref<64x128xf32, #tpu.memory_space<hbm>>) target_semaphore(%dma_start3A_450 : memref<!tpu.dma_semaphore, #tpu.memory_space<semaphore_mem>>)
      %dma_wait3A_461 = arith.constant 1 : i32
      %dma_wait3A_462 = arith.constant 1 : i32
      %dma_wait3A_463 = arith.constant 1 : i32
      %dma_wait3A_464 = arith.constant 0 : i32
      %dma_wait3A_465 = arith.constant 0 : i32
      %dma_wait3A_466 = tpu.memref_slice %arg6[%dma_wait3A_462, %dma_wait3A_464, %dma_wait3A_465] : memref<8x64x128xf32, #tpu.memory_space<vmem>> -> memref<1x64x128xf32, #tpu.memory_space<vmem>>
      %dma_wait3A_467 = tpu.memref_squeeze %dma_wait3A_466 : memref<1x64x128xf32, #tpu.memory_space<vmem>> -> memref<64x128xf32, #tpu.memory_space<vmem>>
      %dma_wait3A_468 = arith.constant 0 : i32
      %dma_wait3A_469 = tpu.memref_slice %arg5[%scan3A_225, %dma_wait3A_468] : memref<80x64xi32, #tpu.memory_space<vmem>> -> memref<1x64xi32, #tpu.memory_space<vmem>>
      %dma_wait3A_470 = tpu.memref_squeeze %dma_wait3A_469 : memref<1x64xi32, #tpu.memory_space<vmem>> -> memref<64xi32, #tpu.memory_space<vmem>>
      %dma_wait3A_471 = arith.constant 0 : i32
      %dma_wait3A_472 = arith.constant 0 : i32
      %dma_wait3A_473 = tpu.memref_slice %arg2[%dma_wait3A_461, %dma_wait3A_471, %dma_wait3A_472] : memref<8x10000x128xf32, #tpu.memory_space<hbm>> -> memref<1x10000x128xf32, #tpu.memory_space<hbm>>
      %dma_wait3A_474 = tpu.memref_squeeze %dma_wait3A_473 : memref<1x10000x128xf32, #tpu.memory_space<hbm>> -> memref<10000x128xf32, #tpu.memory_space<hbm>>
      %dma_wait3A_475 = arith.constant 0 : i32
      %dma_wait3A_476 = arith.constant 0 : i32
      %dma_wait3A_477 = tpu.memref_slice %dma_wait3A_474[%dma_wait3A_475, %dma_wait3A_476] : memref<10000x128xf32, #tpu.memory_space<hbm>> -> memref<10000x128xf32, #tpu.memory_space<hbm>>
      %dma_wait3A_478 = tpu.memref_slice %arg7[%dma_wait3A_463] : memref<8x!tpu.dma_semaphore, #tpu.memory_space<semaphore_mem>> -> memref<1x!tpu.dma_semaphore, #tpu.memory_space<semaphore_mem>>
      %dma_wait3A_479 = tpu.memref_squeeze %dma_wait3A_478 : memref<1x!tpu.dma_semaphore, #tpu.memory_space<semaphore_mem>> -> memref<!tpu.dma_semaphore, #tpu.memory_space<semaphore_mem>>
      tpu.wait_indirect_dma semaphore(%dma_wait3A_479 : memref<!tpu.dma_semaphore, #tpu.memory_space<semaphore_mem>>) src(%dma_wait3A_477 : memref<10000x128xf32, #tpu.memory_space<hbm>>) dst(%dma_wait3A_467 : memref<64x128xf32, #tpu.memory_space<vmem>>)
      %mul3A_480 = arith.constant 64 : i32
      %mul3A_481 = arith.muli %scan3A_225, %mul3A_480 : i32
      %add3A_482 = arith.addi %mul3A_4, %mul3A_481 : i32
      %dma_start3A_483 = arith.constant 1 : i32
      %dma_start3A_484 = arith.constant 1 : i32
      %dma_start3A_485 = arith.constant 1 : i32
      %dma_start3A_486 = arith.constant 0 : i32
      %dma_start3A_487 = arith.constant 0 : i32
      %dma_start3A_488 = tpu.memref_slice %arg6[%dma_start3A_483, %dma_start3A_486, %dma_start3A_487] : memref<8x64x128xf32, #tpu.memory_space<vmem>> -> memref<1x64x128xf32, #tpu.memory_space<vmem>>
      %dma_start3A_489 = tpu.memref_squeeze %dma_start3A_488 : memref<1x64x128xf32, #tpu.memory_space<vmem>> -> memref<64x128xf32, #tpu.memory_space<vmem>>
      %dma_start3A_490 = arith.constant 0 : i32
      %dma_start3A_491 = arith.constant 0 : i32
      %dma_start3A_492 = tpu.memref_slice %arg4[%dma_start3A_484, %dma_start3A_490, %dma_start3A_491] : memref<8x163840x128xf32, #tpu.memory_space<hbm>> -> memref<1x163840x128xf32, #tpu.memory_space<hbm>>
      %dma_start3A_493 = tpu.memref_squeeze %dma_start3A_492 : memref<1x163840x128xf32, #tpu.memory_space<hbm>> -> memref<163840x128xf32, #tpu.memory_space<hbm>>
      %dma_start3A_494 = arith.constant 0 : i32
      %dma_start3A_495 = tpu.memref_slice %dma_start3A_493[%add3A_482, %dma_start3A_494] : memref<163840x128xf32, #tpu.memory_space<hbm>> -> memref<64x128xf32, #tpu.memory_space<hbm>>
      %dma_start3A_496 = tpu.memref_slice %arg8[%dma_start3A_485] : memref<8x!tpu.dma_semaphore, #tpu.memory_space<semaphore_mem>> -> memref<1x!tpu.dma_semaphore, #tpu.memory_space<semaphore_mem>>
      %dma_start3A_497 = tpu.memref_squeeze %dma_start3A_496 : memref<1x!tpu.dma_semaphore, #tpu.memory_space<semaphore_mem>> -> memref<!tpu.dma_semaphore, #tpu.memory_space<semaphore_mem>>
      %dma_start3A_498 = arith.constant 0 : i32
      %dma_start3A_499 = arith.constant 0 : i32
      %dma_start3A_500 = tpu.memref_slice %arg4[%dma_start3A_484, %dma_start3A_498, %dma_start3A_499] : memref<8x163840x128xf32, #tpu.memory_space<hbm>> -> memref<1x163840x128xf32, #tpu.memory_space<hbm>>
      %dma_start3A_501 = tpu.memref_squeeze %dma_start3A_500 : memref<1x163840x128xf32, #tpu.memory_space<hbm>> -> memref<163840x128xf32, #tpu.memory_space<hbm>>
      %dma_start3A_502 = arith.constant 0 : i32
      %dma_start3A_503 = tpu.memref_slice %dma_start3A_501[%add3A_482, %dma_start3A_502] : memref<163840x128xf32, #tpu.memory_space<hbm>> -> memref<64x128xf32, #tpu.memory_space<hbm>>
      %dma_start3A_504 = arith.constant 0 : i32
      %dma_start3A_505 = arith.constant 0 : i32
      %dma_start3A_506 = tpu.memref_slice %arg6[%dma_start3A_483, %dma_start3A_504, %dma_start3A_505] : memref<8x64x128xf32, #tpu.memory_space<vmem>> -> memref<1x64x128xf32, #tpu.memory_space<vmem>>
      %dma_start3A_507 = tpu.memref_squeeze %dma_start3A_506 : memref<1x64x128xf32, #tpu.memory_space<vmem>> -> memref<64x128xf32, #tpu.memory_space<vmem>>
      tpu.enqueue_dma source(%dma_start3A_507 : memref<64x128xf32, #tpu.memory_space<vmem>>) target(%dma_start3A_503 : memref<64x128xf32, #tpu.memory_space<hbm>>) target_semaphore(%dma_start3A_497 : memref<!tpu.dma_semaphore, #tpu.memory_space<semaphore_mem>>)
      %dma_wait3A_508 = arith.constant 2 : i32
      %dma_wait3A_509 = arith.constant 2 : i32
      %dma_wait3A_510 = arith.constant 2 : i32
      %dma_wait3A_511 = arith.constant 0 : i32
      %dma_wait3A_512 = arith.constant 0 : i32
      %dma_wait3A_513 = tpu.memref_slice %arg6[%dma_wait3A_509, %dma_wait3A_511, %dma_wait3A_512] : memref<8x64x128xf32, #tpu.memory_space<vmem>> -> memref<1x64x128xf32, #tpu.memory_space<vmem>>
      %dma_wait3A_514 = tpu.memref_squeeze %dma_wait3A_513 : memref<1x64x128xf32, #tpu.memory_space<vmem>> -> memref<64x128xf32, #tpu.memory_space<vmem>>
      %dma_wait3A_515 = arith.constant 0 : i32
      %dma_wait3A_516 = tpu.memref_slice %arg5[%scan3A_225, %dma_wait3A_515] : memref<80x64xi32, #tpu.memory_space<vmem>> -> memref<1x64xi32, #tpu.memory_space<vmem>>
      %dma_wait3A_517 = tpu.memref_squeeze %dma_wait3A_516 : memref<1x64xi32, #tpu.memory_space<vmem>> -> memref<64xi32, #tpu.memory_space<vmem>>
      %dma_wait3A_518 = arith.constant 0 : i32
      %dma_wait3A_519 = arith.constant 0 : i32
      %dma_wait3A_520 = tpu.memref_slice %arg2[%dma_wait3A_508, %dma_wait3A_518, %dma_wait3A_519] : memref<8x10000x128xf32, #tpu.memory_space<hbm>> -> memref<1x10000x128xf32, #tpu.memory_space<hbm>>
      %dma_wait3A_521 = tpu.memref_squeeze %dma_wait3A_520 : memref<1x10000x128xf32, #tpu.memory_space<hbm>> -> memref<10000x128xf32, #tpu.memory_space<hbm>>
      %dma_wait3A_522 = arith.constant 0 : i32
      %dma_wait3A_523 = arith.constant 0 : i32
      %dma_wait3A_524 = tpu.memref_slice %dma_wait3A_521[%dma_wait3A_522, %dma_wait3A_523] : memref<10000x128xf32, #tpu.memory_space<hbm>> -> memref<10000x128xf32, #tpu.memory_space<hbm>>
      %dma_wait3A_525 = tpu.memref_slice %arg7[%dma_wait3A_510] : memref<8x!tpu.dma_semaphore, #tpu.memory_space<semaphore_mem>> -> memref<1x!tpu.dma_semaphore, #tpu.memory_space<semaphore_mem>>
      %dma_wait3A_526 = tpu.memref_squeeze %dma_wait3A_525 : memref<1x!tpu.dma_semaphore, #tpu.memory_space<semaphore_mem>> -> memref<!tpu.dma_semaphore, #tpu.memory_space<semaphore_mem>>
      tpu.wait_indirect_dma semaphore(%dma_wait3A_526 : memref<!tpu.dma_semaphore, #tpu.memory_space<semaphore_mem>>) src(%dma_wait3A_524 : memref<10000x128xf32, #tpu.memory_space<hbm>>) dst(%dma_wait3A_514 : memref<64x128xf32, #tpu.memory_space<vmem>>)
      %mul3A_527 = arith.constant 64 : i32
      %mul3A_528 = arith.muli %scan3A_225, %mul3A_527 : i32
      %add3A_529 = arith.addi %mul3A_4, %mul3A_528 : i32
      %dma_start3A_530 = arith.constant 2 : i32
      %dma_start3A_531 = arith.constant 2 : i32
      %dma_start3A_532 = arith.constant 2 : i32
      %dma_start3A_533 = arith.constant 0 : i32
      %dma_start3A_534 = arith.constant 0 : i32
      %dma_start3A_535 = tpu.memref_slice %arg6[%dma_start3A_530, %dma_start3A_533, %dma_start3A_534] : memref<8x64x128xf32, #tpu.memory_space<vmem>> -> memref<1x64x128xf32, #tpu.memory_space<vmem>>
      %dma_start3A_536 = tpu.memref_squeeze %dma_start3A_535 : memref<1x64x128xf32, #tpu.memory_space<vmem>> -> memref<64x128xf32, #tpu.memory_space<vmem>>
      %dma_start3A_537 = arith.constant 0 : i32
      %dma_start3A_538 = arith.constant 0 : i32
      %dma_start3A_539 = tpu.memref_slice %arg4[%dma_start3A_531, %dma_start3A_537, %dma_start3A_538] : memref<8x163840x128xf32, #tpu.memory_space<hbm>> -> memref<1x163840x128xf32, #tpu.memory_space<hbm>>
      %dma_start3A_540 = tpu.memref_squeeze %dma_start3A_539 : memref<1x163840x128xf32, #tpu.memory_space<hbm>> -> memref<163840x128xf32, #tpu.memory_space<hbm>>
      %dma_start3A_541 = arith.constant 0 : i32
      %dma_start3A_542 = tpu.memref_slice %dma_start3A_540[%add3A_529, %dma_start3A_541] : memref<163840x128xf32, #tpu.memory_space<hbm>> -> memref<64x128xf32, #tpu.memory_space<hbm>>
      %dma_start3A_543 = tpu.memref_slice %arg8[%dma_start3A_532] : memref<8x!tpu.dma_semaphore, #tpu.memory_space<semaphore_mem>> -> memref<1x!tpu.dma_semaphore, #tpu.memory_space<semaphore_mem>>
      %dma_start3A_544 = tpu.memref_squeeze %dma_start3A_543 : memref<1x!tpu.dma_semaphore, #tpu.memory_space<semaphore_mem>> -> memref<!tpu.dma_semaphore, #tpu.memory_space<semaphore_mem>>
      %dma_start3A_545 = arith.constant 0 : i32
      %dma_start3A_546 = arith.constant 0 : i32
      %dma_start3A_547 = tpu.memref_slice %arg4[%dma_start3A_531, %dma_start3A_545, %dma_start3A_546] : memref<8x163840x128xf32, #tpu.memory_space<hbm>> -> memref<1x163840x128xf32, #tpu.memory_space<hbm>>
      %dma_start3A_548 = tpu.memref_squeeze %dma_start3A_547 : memref<1x163840x128xf32, #tpu.memory_space<hbm>> -> memref<163840x128xf32, #tpu.memory_space<hbm>>
      %dma_start3A_549 = arith.constant 0 : i32
      %dma_start3A_550 = tpu.memref_slice %dma_start3A_548[%add3A_529, %dma_start3A_549] : memref<163840x128xf32, #tpu.memory_space<hbm>> -> memref<64x128xf32, #tpu.memory_space<hbm>>
      %dma_start3A_551 = arith.constant 0 : i32
      %dma_start3A_552 = arith.constant 0 : i32
      %dma_start3A_553 = tpu.memref_slice %arg6[%dma_start3A_530, %dma_start3A_551, %dma_start3A_552] : memref<8x64x128xf32, #tpu.memory_space<vmem>> -> memref<1x64x128xf32, #tpu.memory_space<vmem>>
      %dma_start3A_554 = tpu.memref_squeeze %dma_start3A_553 : memref<1x64x128xf32, #tpu.memory_space<vmem>> -> memref<64x128xf32, #tpu.memory_space<vmem>>
      tpu.enqueue_dma source(%dma_start3A_554 : memref<64x128xf32, #tpu.memory_space<vmem>>) target(%dma_start3A_550 : memref<64x128xf32, #tpu.memory_space<hbm>>) target_semaphore(%dma_start3A_544 : memref<!tpu.dma_semaphore, #tpu.memory_space<semaphore_mem>>)
      %dma_wait3A_555 = arith.constant 3 : i32
      %dma_wait3A_556 = arith.constant 3 : i32
      %dma_wait3A_557 = arith.constant 3 : i32
      %dma_wait3A_558 = arith.constant 0 : i32
      %dma_wait3A_559 = arith.constant 0 : i32
      %dma_wait3A_560 = tpu.memref_slice %arg6[%dma_wait3A_556, %dma_wait3A_558, %dma_wait3A_559] : memref<8x64x128xf32, #tpu.memory_space<vmem>> -> memref<1x64x128xf32, #tpu.memory_space<vmem>>
      %dma_wait3A_561 = tpu.memref_squeeze %dma_wait3A_560 : memref<1x64x128xf32, #tpu.memory_space<vmem>> -> memref<64x128xf32, #tpu.memory_space<vmem>>
      %dma_wait3A_562 = arith.constant 0 : i32
      %dma_wait3A_563 = tpu.memref_slice %arg5[%scan3A_225, %dma_wait3A_562] : memref<80x64xi32, #tpu.memory_space<vmem>> -> memref<1x64xi32, #tpu.memory_space<vmem>>
      %dma_wait3A_564 = tpu.memref_squeeze %dma_wait3A_563 : memref<1x64xi32, #tpu.memory_space<vmem>> -> memref<64xi32, #tpu.memory_space<vmem>>
      %dma_wait3A_565 = arith.constant 0 : i32
      %dma_wait3A_566 = arith.constant 0 : i32
      %dma_wait3A_567 = tpu.memref_slice %arg2[%dma_wait3A_555, %dma_wait3A_565, %dma_wait3A_566] : memref<8x10000x128xf32, #tpu.memory_space<hbm>> -> memref<1x10000x128xf32, #tpu.memory_space<hbm>>
      %dma_wait3A_568 = tpu.memref_squeeze %dma_wait3A_567 : memref<1x10000x128xf32, #tpu.memory_space<hbm>> -> memref<10000x128xf32, #tpu.memory_space<hbm>>
      %dma_wait3A_569 = arith.constant 0 : i32
      %dma_wait3A_570 = arith.constant 0 : i32
      %dma_wait3A_571 = tpu.memref_slice %dma_wait3A_568[%dma_wait3A_569, %dma_wait3A_570] : memref<10000x128xf32, #tpu.memory_space<hbm>> -> memref<10000x128xf32, #tpu.memory_space<hbm>>
      %dma_wait3A_572 = tpu.memref_slice %arg7[%dma_wait3A_557] : memref<8x!tpu.dma_semaphore, #tpu.memory_space<semaphore_mem>> -> memref<1x!tpu.dma_semaphore, #tpu.memory_space<semaphore_mem>>
      %dma_wait3A_573 = tpu.memref_squeeze %dma_wait3A_572 : memref<1x!tpu.dma_semaphore, #tpu.memory_space<semaphore_mem>> -> memref<!tpu.dma_semaphore, #tpu.memory_space<semaphore_mem>>
      tpu.wait_indirect_dma semaphore(%dma_wait3A_573 : memref<!tpu.dma_semaphore, #tpu.memory_space<semaphore_mem>>) src(%dma_wait3A_571 : memref<10000x128xf32, #tpu.memory_space<hbm>>) dst(%dma_wait3A_561 : memref<64x128xf32, #tpu.memory_space<vmem>>)
      %mul3A_574 = arith.constant 64 : i32
      %mul3A_575 = arith.muli %scan3A_225, %mul3A_574 : i32
      %add3A_576 = arith.addi %mul3A_4, %mul3A_575 : i32
      %dma_start3A_577 = arith.constant 3 : i32
      %dma_start3A_578 = arith.constant 3 : i32
      %dma_start3A_579 = arith.constant 3 : i32
      %dma_start3A_580 = arith.constant 0 : i32
      %dma_start3A_581 = arith.constant 0 : i32
      %dma_start3A_582 = tpu.memref_slice %arg6[%dma_start3A_577, %dma_start3A_580, %dma_start3A_581] : memref<8x64x128xf32, #tpu.memory_space<vmem>> -> memref<1x64x128xf32, #tpu.memory_space<vmem>>
      %dma_start3A_583 = tpu.memref_squeeze %dma_start3A_582 : memref<1x64x128xf32, #tpu.memory_space<vmem>> -> memref<64x128xf32, #tpu.memory_space<vmem>>
      %dma_start3A_584 = arith.constant 0 : i32
      %dma_start3A_585 = arith.constant 0 : i32
      %dma_start3A_586 = tpu.memref_slice %arg4[%dma_start3A_578, %dma_start3A_584, %dma_start3A_585] : memref<8x163840x128xf32, #tpu.memory_space<hbm>> -> memref<1x163840x128xf32, #tpu.memory_space<hbm>>
      %dma_start3A_587 = tpu.memref_squeeze %dma_start3A_586 : memref<1x163840x128xf32, #tpu.memory_space<hbm>> -> memref<163840x128xf32, #tpu.memory_space<hbm>>
      %dma_start3A_588 = arith.constant 0 : i32
      %dma_start3A_589 = tpu.memref_slice %dma_start3A_587[%add3A_576, %dma_start3A_588] : memref<163840x128xf32, #tpu.memory_space<hbm>> -> memref<64x128xf32, #tpu.memory_space<hbm>>
      %dma_start3A_590 = tpu.memref_slice %arg8[%dma_start3A_579] : memref<8x!tpu.dma_semaphore, #tpu.memory_space<semaphore_mem>> -> memref<1x!tpu.dma_semaphore, #tpu.memory_space<semaphore_mem>>
      %dma_start3A_591 = tpu.memref_squeeze %dma_start3A_590 : memref<1x!tpu.dma_semaphore, #tpu.memory_space<semaphore_mem>> -> memref<!tpu.dma_semaphore, #tpu.memory_space<semaphore_mem>>
      %dma_start3A_592 = arith.constant 0 : i32
      %dma_start3A_593 = arith.constant 0 : i32
      %dma_start3A_594 = tpu.memref_slice %arg4[%dma_start3A_578, %dma_start3A_592, %dma_start3A_593] : memref<8x163840x128xf32, #tpu.memory_space<hbm>> -> memref<1x163840x128xf32, #tpu.memory_space<hbm>>
      %dma_start3A_595 = tpu.memref_squeeze %dma_start3A_594 : memref<1x163840x128xf32, #tpu.memory_space<hbm>> -> memref<163840x128xf32, #tpu.memory_space<hbm>>
      %dma_start3A_596 = arith.constant 0 : i32
      %dma_start3A_597 = tpu.memref_slice %dma_start3A_595[%add3A_576, %dma_start3A_596] : memref<163840x128xf32, #tpu.memory_space<hbm>> -> memref<64x128xf32, #tpu.memory_space<hbm>>
      %dma_start3A_598 = arith.constant 0 : i32
      %dma_start3A_599 = arith.constant 0 : i32
      %dma_start3A_600 = tpu.memref_slice %arg6[%dma_start3A_577, %dma_start3A_598, %dma_start3A_599] : memref<8x64x128xf32, #tpu.memory_space<vmem>> -> memref<1x64x128xf32, #tpu.memory_space<vmem>>
      %dma_start3A_601 = tpu.memref_squeeze %dma_start3A_600 : memref<1x64x128xf32, #tpu.memory_space<vmem>> -> memref<64x128xf32, #tpu.memory_space<vmem>>
      tpu.enqueue_dma source(%dma_start3A_601 : memref<64x128xf32, #tpu.memory_space<vmem>>) target(%dma_start3A_597 : memref<64x128xf32, #tpu.memory_space<hbm>>) target_semaphore(%dma_start3A_591 : memref<!tpu.dma_semaphore, #tpu.memory_space<semaphore_mem>>)
      %dma_wait3A_602 = arith.constant 4 : i32
      %dma_wait3A_603 = arith.constant 4 : i32
      %dma_wait3A_604 = arith.constant 4 : i32
      %dma_wait3A_605 = arith.constant 0 : i32
      %dma_wait3A_606 = arith.constant 0 : i32
      %dma_wait3A_607 = tpu.memref_slice %arg6[%dma_wait3A_603, %dma_wait3A_605, %dma_wait3A_606] : memref<8x64x128xf32, #tpu.memory_space<vmem>> -> memref<1x64x128xf32, #tpu.memory_space<vmem>>
      %dma_wait3A_608 = tpu.memref_squeeze %dma_wait3A_607 : memref<1x64x128xf32, #tpu.memory_space<vmem>> -> memref<64x128xf32, #tpu.memory_space<vmem>>
      %dma_wait3A_609 = arith.constant 0 : i32
      %dma_wait3A_610 = tpu.memref_slice %arg5[%scan3A_225, %dma_wait3A_609] : memref<80x64xi32, #tpu.memory_space<vmem>> -> memref<1x64xi32, #tpu.memory_space<vmem>>
      %dma_wait3A_611 = tpu.memref_squeeze %dma_wait3A_610 : memref<1x64xi32, #tpu.memory_space<vmem>> -> memref<64xi32, #tpu.memory_space<vmem>>
      %dma_wait3A_612 = arith.constant 0 : i32
      %dma_wait3A_613 = arith.constant 0 : i32
      %dma_wait3A_614 = tpu.memref_slice %arg2[%dma_wait3A_602, %dma_wait3A_612, %dma_wait3A_613] : memref<8x10000x128xf32, #tpu.memory_space<hbm>> -> memref<1x10000x128xf32, #tpu.memory_space<hbm>>
      %dma_wait3A_615 = tpu.memref_squeeze %dma_wait3A_614 : memref<1x10000x128xf32, #tpu.memory_space<hbm>> -> memref<10000x128xf32, #tpu.memory_space<hbm>>
      %dma_wait3A_616 = arith.constant 0 : i32
      %dma_wait3A_617 = arith.constant 0 : i32
      %dma_wait3A_618 = tpu.memref_slice %dma_wait3A_615[%dma_wait3A_616, %dma_wait3A_617] : memref<10000x128xf32, #tpu.memory_space<hbm>> -> memref<10000x128xf32, #tpu.memory_space<hbm>>
      %dma_wait3A_619 = tpu.memref_slice %arg7[%dma_wait3A_604] : memref<8x!tpu.dma_semaphore, #tpu.memory_space<semaphore_mem>> -> memref<1x!tpu.dma_semaphore, #tpu.memory_space<semaphore_mem>>
      %dma_wait3A_620 = tpu.memref_squeeze %dma_wait3A_619 : memref<1x!tpu.dma_semaphore, #tpu.memory_space<semaphore_mem>> -> memref<!tpu.dma_semaphore, #tpu.memory_space<semaphore_mem>>
      tpu.wait_indirect_dma semaphore(%dma_wait3A_620 : memref<!tpu.dma_semaphore, #tpu.memory_space<semaphore_mem>>) src(%dma_wait3A_618 : memref<10000x128xf32, #tpu.memory_space<hbm>>) dst(%dma_wait3A_608 : memref<64x128xf32, #tpu.memory_space<vmem>>)
      %mul3A_621 = arith.constant 64 : i32
      %mul3A_622 = arith.muli %scan3A_225, %mul3A_621 : i32
      %add3A_623 = arith.addi %mul3A_4, %mul3A_622 : i32
      %dma_start3A_624 = arith.constant 4 : i32
      %dma_start3A_625 = arith.constant 4 : i32
      %dma_start3A_626 = arith.constant 4 : i32
      %dma_start3A_627 = arith.constant 0 : i32
      %dma_start3A_628 = arith.constant 0 : i32
      %dma_start3A_629 = tpu.memref_slice %arg6[%dma_start3A_624, %dma_start3A_627, %dma_start3A_628] : memref<8x64x128xf32, #tpu.memory_space<vmem>> -> memref<1x64x128xf32, #tpu.memory_space<vmem>>
      %dma_start3A_630 = tpu.memref_squeeze %dma_start3A_629 : memref<1x64x128xf32, #tpu.memory_space<vmem>> -> memref<64x128xf32, #tpu.memory_space<vmem>>
      %dma_start3A_631 = arith.constant 0 : i32
      %dma_start3A_632 = arith.constant 0 : i32
      %dma_start3A_633 = tpu.memref_slice %arg4[%dma_start3A_625, %dma_start3A_631, %dma_start3A_632] : memref<8x163840x128xf32, #tpu.memory_space<hbm>> -> memref<1x163840x128xf32, #tpu.memory_space<hbm>>
      %dma_start3A_634 = tpu.memref_squeeze %dma_start3A_633 : memref<1x163840x128xf32, #tpu.memory_space<hbm>> -> memref<163840x128xf32, #tpu.memory_space<hbm>>
      %dma_start3A_635 = arith.constant 0 : i32
      %dma_start3A_636 = tpu.memref_slice %dma_start3A_634[%add3A_623, %dma_start3A_635] : memref<163840x128xf32, #tpu.memory_space<hbm>> -> memref<64x128xf32, #tpu.memory_space<hbm>>
      %dma_start3A_637 = tpu.memref_slice %arg8[%dma_start3A_626] : memref<8x!tpu.dma_semaphore, #tpu.memory_space<semaphore_mem>> -> memref<1x!tpu.dma_semaphore, #tpu.memory_space<semaphore_mem>>
      %dma_start3A_638 = tpu.memref_squeeze %dma_start3A_637 : memref<1x!tpu.dma_semaphore, #tpu.memory_space<semaphore_mem>> -> memref<!tpu.dma_semaphore, #tpu.memory_space<semaphore_mem>>
      %dma_start3A_639 = arith.constant 0 : i32
      %dma_start3A_640 = arith.constant 0 : i32
      %dma_start3A_641 = tpu.memref_slice %arg4[%dma_start3A_625, %dma_start3A_639, %dma_start3A_640] : memref<8x163840x128xf32, #tpu.memory_space<hbm>> -> memref<1x163840x128xf32, #tpu.memory_space<hbm>>
      %dma_start3A_642 = tpu.memref_squeeze %dma_start3A_641 : memref<1x163840x128xf32, #tpu.memory_space<hbm>> -> memref<163840x128xf32, #tpu.memory_space<hbm>>
      %dma_start3A_643 = arith.constant 0 : i32
      %dma_start3A_644 = tpu.memref_slice %dma_start3A_642[%add3A_623, %dma_start3A_643] : memref<163840x128xf32, #tpu.memory_space<hbm>> -> memref<64x128xf32, #tpu.memory_space<hbm>>
      %dma_start3A_645 = arith.constant 0 : i32
      %dma_start3A_646 = arith.constant 0 : i32
      %dma_start3A_647 = tpu.memref_slice %arg6[%dma_start3A_624, %dma_start3A_645, %dma_start3A_646] : memref<8x64x128xf32, #tpu.memory_space<vmem>> -> memref<1x64x128xf32, #tpu.memory_space<vmem>>
      %dma_start3A_648 = tpu.memref_squeeze %dma_start3A_647 : memref<1x64x128xf32, #tpu.memory_space<vmem>> -> memref<64x128xf32, #tpu.memory_space<vmem>>
      tpu.enqueue_dma source(%dma_start3A_648 : memref<64x128xf32, #tpu.memory_space<vmem>>) target(%dma_start3A_644 : memref<64x128xf32, #tpu.memory_space<hbm>>) target_semaphore(%dma_start3A_638 : memref<!tpu.dma_semaphore, #tpu.memory_space<semaphore_mem>>)
      %dma_wait3A_649 = arith.constant 5 : i32
      %dma_wait3A_650 = arith.constant 5 : i32
      %dma_wait3A_651 = arith.constant 5 : i32
      %dma_wait3A_652 = arith.constant 0 : i32
      %dma_wait3A_653 = arith.constant 0 : i32
      %dma_wait3A_654 = tpu.memref_slice %arg6[%dma_wait3A_650, %dma_wait3A_652, %dma_wait3A_653] : memref<8x64x128xf32, #tpu.memory_space<vmem>> -> memref<1x64x128xf32, #tpu.memory_space<vmem>>
      %dma_wait3A_655 = tpu.memref_squeeze %dma_wait3A_654 : memref<1x64x128xf32, #tpu.memory_space<vmem>> -> memref<64x128xf32, #tpu.memory_space<vmem>>
      %dma_wait3A_656 = arith.constant 0 : i32
      %dma_wait3A_657 = tpu.memref_slice %arg5[%scan3A_225, %dma_wait3A_656] : memref<80x64xi32, #tpu.memory_space<vmem>> -> memref<1x64xi32, #tpu.memory_space<vmem>>
      %dma_wait3A_658 = tpu.memref_squeeze %dma_wait3A_657 : memref<1x64xi32, #tpu.memory_space<vmem>> -> memref<64xi32, #tpu.memory_space<vmem>>
      %dma_wait3A_659 = arith.constant 0 : i32
      %dma_wait3A_660 = arith.constant 0 : i32
      %dma_wait3A_661 = tpu.memref_slice %arg2[%dma_wait3A_649, %dma_wait3A_659, %dma_wait3A_660] : memref<8x10000x128xf32, #tpu.memory_space<hbm>> -> memref<1x10000x128xf32, #tpu.memory_space<hbm>>
      %dma_wait3A_662 = tpu.memref_squeeze %dma_wait3A_661 : memref<1x10000x128xf32, #tpu.memory_space<hbm>> -> memref<10000x128xf32, #tpu.memory_space<hbm>>
      %dma_wait3A_663 = arith.constant 0 : i32
      %dma_wait3A_664 = arith.constant 0 : i32
      %dma_wait3A_665 = tpu.memref_slice %dma_wait3A_662[%dma_wait3A_663, %dma_wait3A_664] : memref<10000x128xf32, #tpu.memory_space<hbm>> -> memref<10000x128xf32, #tpu.memory_space<hbm>>
      %dma_wait3A_666 = tpu.memref_slice %arg7[%dma_wait3A_651] : memref<8x!tpu.dma_semaphore, #tpu.memory_space<semaphore_mem>> -> memref<1x!tpu.dma_semaphore, #tpu.memory_space<semaphore_mem>>
      %dma_wait3A_667 = tpu.memref_squeeze %dma_wait3A_666 : memref<1x!tpu.dma_semaphore, #tpu.memory_space<semaphore_mem>> -> memref<!tpu.dma_semaphore, #tpu.memory_space<semaphore_mem>>
      tpu.wait_indirect_dma semaphore(%dma_wait3A_667 : memref<!tpu.dma_semaphore, #tpu.memory_space<semaphore_mem>>) src(%dma_wait3A_665 : memref<10000x128xf32, #tpu.memory_space<hbm>>) dst(%dma_wait3A_655 : memref<64x128xf32, #tpu.memory_space<vmem>>)
      %mul3A_668 = arith.constant 64 : i32
      %mul3A_669 = arith.muli %scan3A_225, %mul3A_668 : i32
      %add3A_670 = arith.addi %mul3A_4, %mul3A_669 : i32
      %dma_start3A_671 = arith.constant 5 : i32
      %dma_start3A_672 = arith.constant 5 : i32
      %dma_start3A_673 = arith.constant 5 : i32
      %dma_start3A_674 = arith.constant 0 : i32
      %dma_start3A_675 = arith.constant 0 : i32
      %dma_start3A_676 = tpu.memref_slice %arg6[%dma_start3A_671, %dma_start3A_674, %dma_start3A_675] : memref<8x64x128xf32, #tpu.memory_space<vmem>> -> memref<1x64x128xf32, #tpu.memory_space<vmem>>
      %dma_start3A_677 = tpu.memref_squeeze %dma_start3A_676 : memref<1x64x128xf32, #tpu.memory_space<vmem>> -> memref<64x128xf32, #tpu.memory_space<vmem>>
      %dma_start3A_678 = arith.constant 0 : i32
      %dma_start3A_679 = arith.constant 0 : i32
      %dma_start3A_680 = tpu.memref_slice %arg4[%dma_start3A_672, %dma_start3A_678, %dma_start3A_679] : memref<8x163840x128xf32, #tpu.memory_space<hbm>> -> memref<1x163840x128xf32, #tpu.memory_space<hbm>>
      %dma_start3A_681 = tpu.memref_squeeze %dma_start3A_680 : memref<1x163840x128xf32, #tpu.memory_space<hbm>> -> memref<163840x128xf32, #tpu.memory_space<hbm>>
      %dma_start3A_682 = arith.constant 0 : i32
      %dma_start3A_683 = tpu.memref_slice %dma_start3A_681[%add3A_670, %dma_start3A_682] : memref<163840x128xf32, #tpu.memory_space<hbm>> -> memref<64x128xf32, #tpu.memory_space<hbm>>
      %dma_start3A_684 = tpu.memref_slice %arg8[%dma_start3A_673] : memref<8x!tpu.dma_semaphore, #tpu.memory_space<semaphore_mem>> -> memref<1x!tpu.dma_semaphore, #tpu.memory_space<semaphore_mem>>
      %dma_start3A_685 = tpu.memref_squeeze %dma_start3A_684 : memref<1x!tpu.dma_semaphore, #tpu.memory_space<semaphore_mem>> -> memref<!tpu.dma_semaphore, #tpu.memory_space<semaphore_mem>>
      %dma_start3A_686 = arith.constant 0 : i32
      %dma_start3A_687 = arith.constant 0 : i32
      %dma_start3A_688 = tpu.memref_slice %arg4[%dma_start3A_672, %dma_start3A_686, %dma_start3A_687] : memref<8x163840x128xf32, #tpu.memory_space<hbm>> -> memref<1x163840x128xf32, #tpu.memory_space<hbm>>
      %dma_start3A_689 = tpu.memref_squeeze %dma_start3A_688 : memref<1x163840x128xf32, #tpu.memory_space<hbm>> -> memref<163840x128xf32, #tpu.memory_space<hbm>>
      %dma_start3A_690 = arith.constant 0 : i32
      %dma_start3A_691 = tpu.memref_slice %dma_start3A_689[%add3A_670, %dma_start3A_690] : memref<163840x128xf32, #tpu.memory_space<hbm>> -> memref<64x128xf32, #tpu.memory_space<hbm>>
      %dma_start3A_692 = arith.constant 0 : i32
      %dma_start3A_693 = arith.constant 0 : i32
      %dma_start3A_694 = tpu.memref_slice %arg6[%dma_start3A_671, %dma_start3A_692, %dma_start3A_693] : memref<8x64x128xf32, #tpu.memory_space<vmem>> -> memref<1x64x128xf32, #tpu.memory_space<vmem>>
      %dma_start3A_695 = tpu.memref_squeeze %dma_start3A_694 : memref<1x64x128xf32, #tpu.memory_space<vmem>> -> memref<64x128xf32, #tpu.memory_space<vmem>>
      tpu.enqueue_dma source(%dma_start3A_695 : memref<64x128xf32, #tpu.memory_space<vmem>>) target(%dma_start3A_691 : memref<64x128xf32, #tpu.memory_space<hbm>>) target_semaphore(%dma_start3A_685 : memref<!tpu.dma_semaphore, #tpu.memory_space<semaphore_mem>>)
      %dma_wait3A_696 = arith.constant 6 : i32
      %dma_wait3A_697 = arith.constant 6 : i32
      %dma_wait3A_698 = arith.constant 6 : i32
      %dma_wait3A_699 = arith.constant 0 : i32
      %dma_wait3A_700 = arith.constant 0 : i32
      %dma_wait3A_701 = tpu.memref_slice %arg6[%dma_wait3A_697, %dma_wait3A_699, %dma_wait3A_700] : memref<8x64x128xf32, #tpu.memory_space<vmem>> -> memref<1x64x128xf32, #tpu.memory_space<vmem>>
      %dma_wait3A_702 = tpu.memref_squeeze %dma_wait3A_701 : memref<1x64x128xf32, #tpu.memory_space<vmem>> -> memref<64x128xf32, #tpu.memory_space<vmem>>
      %dma_wait3A_703 = arith.constant 0 : i32
      %dma_wait3A_704 = tpu.memref_slice %arg5[%scan3A_225, %dma_wait3A_703] : memref<80x64xi32, #tpu.memory_space<vmem>> -> memref<1x64xi32, #tpu.memory_space<vmem>>
      %dma_wait3A_705 = tpu.memref_squeeze %dma_wait3A_704 : memref<1x64xi32, #tpu.memory_space<vmem>> -> memref<64xi32, #tpu.memory_space<vmem>>
      %dma_wait3A_706 = arith.constant 0 : i32
      %dma_wait3A_707 = arith.constant 0 : i32
      %dma_wait3A_708 = tpu.memref_slice %arg2[%dma_wait3A_696, %dma_wait3A_706, %dma_wait3A_707] : memref<8x10000x128xf32, #tpu.memory_space<hbm>> -> memref<1x10000x128xf32, #tpu.memory_space<hbm>>
      %dma_wait3A_709 = tpu.memref_squeeze %dma_wait3A_708 : memref<1x10000x128xf32, #tpu.memory_space<hbm>> -> memref<10000x128xf32, #tpu.memory_space<hbm>>
      %dma_wait3A_710 = arith.constant 0 : i32
      %dma_wait3A_711 = arith.constant 0 : i32
      %dma_wait3A_712 = tpu.memref_slice %dma_wait3A_709[%dma_wait3A_710, %dma_wait3A_711] : memref<10000x128xf32, #tpu.memory_space<hbm>> -> memref<10000x128xf32, #tpu.memory_space<hbm>>
      %dma_wait3A_713 = tpu.memref_slice %arg7[%dma_wait3A_698] : memref<8x!tpu.dma_semaphore, #tpu.memory_space<semaphore_mem>> -> memref<1x!tpu.dma_semaphore, #tpu.memory_space<semaphore_mem>>
      %dma_wait3A_714 = tpu.memref_squeeze %dma_wait3A_713 : memref<1x!tpu.dma_semaphore, #tpu.memory_space<semaphore_mem>> -> memref<!tpu.dma_semaphore, #tpu.memory_space<semaphore_mem>>
      tpu.wait_indirect_dma semaphore(%dma_wait3A_714 : memref<!tpu.dma_semaphore, #tpu.memory_space<semaphore_mem>>) src(%dma_wait3A_712 : memref<10000x128xf32, #tpu.memory_space<hbm>>) dst(%dma_wait3A_702 : memref<64x128xf32, #tpu.memory_space<vmem>>)
      %mul3A_715 = arith.constant 64 : i32
      %mul3A_716 = arith.muli %scan3A_225, %mul3A_715 : i32
      %add3A_717 = arith.addi %mul3A_4, %mul3A_716 : i32
      %dma_start3A_718 = arith.constant 6 : i32
      %dma_start3A_719 = arith.constant 6 : i32
      %dma_start3A_720 = arith.constant 6 : i32
      %dma_start3A_721 = arith.constant 0 : i32
      %dma_start3A_722 = arith.constant 0 : i32
      %dma_start3A_723 = tpu.memref_slice %arg6[%dma_start3A_718, %dma_start3A_721, %dma_start3A_722] : memref<8x64x128xf32, #tpu.memory_space<vmem>> -> memref<1x64x128xf32, #tpu.memory_space<vmem>>
      %dma_start3A_724 = tpu.memref_squeeze %dma_start3A_723 : memref<1x64x128xf32, #tpu.memory_space<vmem>> -> memref<64x128xf32, #tpu.memory_space<vmem>>
      %dma_start3A_725 = arith.constant 0 : i32
      %dma_start3A_726 = arith.constant 0 : i32
      %dma_start3A_727 = tpu.memref_slice %arg4[%dma_start3A_719, %dma_start3A_725, %dma_start3A_726] : memref<8x163840x128xf32, #tpu.memory_space<hbm>> -> memref<1x163840x128xf32, #tpu.memory_space<hbm>>
      %dma_start3A_728 = tpu.memref_squeeze %dma_start3A_727 : memref<1x163840x128xf32, #tpu.memory_space<hbm>> -> memref<163840x128xf32, #tpu.memory_space<hbm>>
      %dma_start3A_729 = arith.constant 0 : i32
      %dma_start3A_730 = tpu.memref_slice %dma_start3A_728[%add3A_717, %dma_start3A_729] : memref<163840x128xf32, #tpu.memory_space<hbm>> -> memref<64x128xf32, #tpu.memory_space<hbm>>
      %dma_start3A_731 = tpu.memref_slice %arg8[%dma_start3A_720] : memref<8x!tpu.dma_semaphore, #tpu.memory_space<semaphore_mem>> -> memref<1x!tpu.dma_semaphore, #tpu.memory_space<semaphore_mem>>
      %dma_start3A_732 = tpu.memref_squeeze %dma_start3A_731 : memref<1x!tpu.dma_semaphore, #tpu.memory_space<semaphore_mem>> -> memref<!tpu.dma_semaphore, #tpu.memory_space<semaphore_mem>>
      %dma_start3A_733 = arith.constant 0 : i32
      %dma_start3A_734 = arith.constant 0 : i32
      %dma_start3A_735 = tpu.memref_slice %arg4[%dma_start3A_719, %dma_start3A_733, %dma_start3A_734] : memref<8x163840x128xf32, #tpu.memory_space<hbm>> -> memref<1x163840x128xf32, #tpu.memory_space<hbm>>
      %dma_start3A_736 = tpu.memref_squeeze %dma_start3A_735 : memref<1x163840x128xf32, #tpu.memory_space<hbm>> -> memref<163840x128xf32, #tpu.memory_space<hbm>>
      %dma_start3A_737 = arith.constant 0 : i32
      %dma_start3A_738 = tpu.memref_slice %dma_start3A_736[%add3A_717, %dma_start3A_737] : memref<163840x128xf32, #tpu.memory_space<hbm>> -> memref<64x128xf32, #tpu.memory_space<hbm>>
      %dma_start3A_739 = arith.constant 0 : i32
      %dma_start3A_740 = arith.constant 0 : i32
      %dma_start3A_741 = tpu.memref_slice %arg6[%dma_start3A_718, %dma_start3A_739, %dma_start3A_740] : memref<8x64x128xf32, #tpu.memory_space<vmem>> -> memref<1x64x128xf32, #tpu.memory_space<vmem>>
      %dma_start3A_742 = tpu.memref_squeeze %dma_start3A_741 : memref<1x64x128xf32, #tpu.memory_space<vmem>> -> memref<64x128xf32, #tpu.memory_space<vmem>>
      tpu.enqueue_dma source(%dma_start3A_742 : memref<64x128xf32, #tpu.memory_space<vmem>>) target(%dma_start3A_738 : memref<64x128xf32, #tpu.memory_space<hbm>>) target_semaphore(%dma_start3A_732 : memref<!tpu.dma_semaphore, #tpu.memory_space<semaphore_mem>>)
      %dma_wait3A_743 = arith.constant 7 : i32
      %dma_wait3A_744 = arith.constant 7 : i32
      %dma_wait3A_745 = arith.constant 7 : i32
      %dma_wait3A_746 = arith.constant 0 : i32
      %dma_wait3A_747 = arith.constant 0 : i32
      %dma_wait3A_748 = tpu.memref_slice %arg6[%dma_wait3A_744, %dma_wait3A_746, %dma_wait3A_747] : memref<8x64x128xf32, #tpu.memory_space<vmem>> -> memref<1x64x128xf32, #tpu.memory_space<vmem>>
      %dma_wait3A_749 = tpu.memref_squeeze %dma_wait3A_748 : memref<1x64x128xf32, #tpu.memory_space<vmem>> -> memref<64x128xf32, #tpu.memory_space<vmem>>
      %dma_wait3A_750 = arith.constant 0 : i32
      %dma_wait3A_751 = tpu.memref_slice %arg5[%scan3A_225, %dma_wait3A_750] : memref<80x64xi32, #tpu.memory_space<vmem>> -> memref<1x64xi32, #tpu.memory_space<vmem>>
      %dma_wait3A_752 = tpu.memref_squeeze %dma_wait3A_751 : memref<1x64xi32, #tpu.memory_space<vmem>> -> memref<64xi32, #tpu.memory_space<vmem>>
      %dma_wait3A_753 = arith.constant 0 : i32
      %dma_wait3A_754 = arith.constant 0 : i32
      %dma_wait3A_755 = tpu.memref_slice %arg2[%dma_wait3A_743, %dma_wait3A_753, %dma_wait3A_754] : memref<8x10000x128xf32, #tpu.memory_space<hbm>> -> memref<1x10000x128xf32, #tpu.memory_space<hbm>>
      %dma_wait3A_756 = tpu.memref_squeeze %dma_wait3A_755 : memref<1x10000x128xf32, #tpu.memory_space<hbm>> -> memref<10000x128xf32, #tpu.memory_space<hbm>>
      %dma_wait3A_757 = arith.constant 0 : i32
      %dma_wait3A_758 = arith.constant 0 : i32
      %dma_wait3A_759 = tpu.memref_slice %dma_wait3A_756[%dma_wait3A_757, %dma_wait3A_758] : memref<10000x128xf32, #tpu.memory_space<hbm>> -> memref<10000x128xf32, #tpu.memory_space<hbm>>
      %dma_wait3A_760 = tpu.memref_slice %arg7[%dma_wait3A_745] : memref<8x!tpu.dma_semaphore, #tpu.memory_space<semaphore_mem>> -> memref<1x!tpu.dma_semaphore, #tpu.memory_space<semaphore_mem>>
      %dma_wait3A_761 = tpu.memref_squeeze %dma_wait3A_760 : memref<1x!tpu.dma_semaphore, #tpu.memory_space<semaphore_mem>> -> memref<!tpu.dma_semaphore, #tpu.memory_space<semaphore_mem>>
      tpu.wait_indirect_dma semaphore(%dma_wait3A_761 : memref<!tpu.dma_semaphore, #tpu.memory_space<semaphore_mem>>) src(%dma_wait3A_759 : memref<10000x128xf32, #tpu.memory_space<hbm>>) dst(%dma_wait3A_749 : memref<64x128xf32, #tpu.memory_space<vmem>>)
      %mul3A_762 = arith.constant 64 : i32
      %mul3A_763 = arith.muli %scan3A_225, %mul3A_762 : i32
      %add3A_764 = arith.addi %mul3A_4, %mul3A_763 : i32
      %dma_start3A_765 = arith.constant 7 : i32
      %dma_start3A_766 = arith.constant 7 : i32
      %dma_start3A_767 = arith.constant 7 : i32
      %dma_start3A_768 = arith.constant 0 : i32
      %dma_start3A_769 = arith.constant 0 : i32
      %dma_start3A_770 = tpu.memref_slice %arg6[%dma_start3A_765, %dma_start3A_768, %dma_start3A_769] : memref<8x64x128xf32, #tpu.memory_space<vmem>> -> memref<1x64x128xf32, #tpu.memory_space<vmem>>
      %dma_start3A_771 = tpu.memref_squeeze %dma_start3A_770 : memref<1x64x128xf32, #tpu.memory_space<vmem>> -> memref<64x128xf32, #tpu.memory_space<vmem>>
      %dma_start3A_772 = arith.constant 0 : i32
      %dma_start3A_773 = arith.constant 0 : i32
      %dma_start3A_774 = tpu.memref_slice %arg4[%dma_start3A_766, %dma_start3A_772, %dma_start3A_773] : memref<8x163840x128xf32, #tpu.memory_space<hbm>> -> memref<1x163840x128xf32, #tpu.memory_space<hbm>>
      %dma_start3A_775 = tpu.memref_squeeze %dma_start3A_774 : memref<1x163840x128xf32, #tpu.memory_space<hbm>> -> memref<163840x128xf32, #tpu.memory_space<hbm>>
      %dma_start3A_776 = arith.constant 0 : i32
      %dma_start3A_777 = tpu.memref_slice %dma_start3A_775[%add3A_764, %dma_start3A_776] : memref<163840x128xf32, #tpu.memory_space<hbm>> -> memref<64x128xf32, #tpu.memory_space<hbm>>
      %dma_start3A_778 = tpu.memref_slice %arg8[%dma_start3A_767] : memref<8x!tpu.dma_semaphore, #tpu.memory_space<semaphore_mem>> -> memref<1x!tpu.dma_semaphore, #tpu.memory_space<semaphore_mem>>
      %dma_start3A_779 = tpu.memref_squeeze %dma_start3A_778 : memref<1x!tpu.dma_semaphore, #tpu.memory_space<semaphore_mem>> -> memref<!tpu.dma_semaphore, #tpu.memory_space<semaphore_mem>>
      %dma_start3A_780 = arith.constant 0 : i32
      %dma_start3A_781 = arith.constant 0 : i32
      %dma_start3A_782 = tpu.memref_slice %arg4[%dma_start3A_766, %dma_start3A_780, %dma_start3A_781] : memref<8x163840x128xf32, #tpu.memory_space<hbm>> -> memref<1x163840x128xf32, #tpu.memory_space<hbm>>
      %dma_start3A_783 = tpu.memref_squeeze %dma_start3A_782 : memref<1x163840x128xf32, #tpu.memory_space<hbm>> -> memref<163840x128xf32, #tpu.memory_space<hbm>>
      %dma_start3A_784 = arith.constant 0 : i32
      %dma_start3A_785 = tpu.memref_slice %dma_start3A_783[%add3A_764, %dma_start3A_784] : memref<163840x128xf32, #tpu.memory_space<hbm>> -> memref<64x128xf32, #tpu.memory_space<hbm>>
      %dma_start3A_786 = arith.constant 0 : i32
      %dma_start3A_787 = arith.constant 0 : i32
      %dma_start3A_788 = tpu.memref_slice %arg6[%dma_start3A_765, %dma_start3A_786, %dma_start3A_787] : memref<8x64x128xf32, #tpu.memory_space<vmem>> -> memref<1x64x128xf32, #tpu.memory_space<vmem>>
      %dma_start3A_789 = tpu.memref_squeeze %dma_start3A_788 : memref<1x64x128xf32, #tpu.memory_space<vmem>> -> memref<64x128xf32, #tpu.memory_space<vmem>>
      tpu.enqueue_dma source(%dma_start3A_789 : memref<64x128xf32, #tpu.memory_space<vmem>>) target(%dma_start3A_785 : memref<64x128xf32, #tpu.memory_space<hbm>>) target_semaphore(%dma_start3A_779 : memref<!tpu.dma_semaphore, #tpu.memory_space<semaphore_mem>>)
    }
    %scan3A_9 = arith.constant 80 : i32
    %add3A_10 = arith.constant 5056 : i32
    %add3A_11 = arith.addi %mul3A_4, %add3A_10 : i32
    %dma_wait3A = arith.constant 0 : i32
    %dma_wait3A_12 = arith.constant 0 : i32
    %dma_wait3A_13 = arith.constant 0 : i32
    %dma_wait3A_14 = arith.constant 0 : i32
    %dma_wait3A_15 = arith.constant 0 : i32
    %dma_wait3A_16 = tpu.memref_slice %arg6[%dma_wait3A, %dma_wait3A_14, %dma_wait3A_15] : memref<8x64x128xf32, #tpu.memory_space<vmem>> -> memref<1x64x128xf32, #tpu.memory_space<vmem>>
    %dma_wait3A_17 = tpu.memref_squeeze %dma_wait3A_16 : memref<1x64x128xf32, #tpu.memory_space<vmem>> -> memref<64x128xf32, #tpu.memory_space<vmem>>
    %dma_wait3A_18 = arith.constant 0 : i32
    %dma_wait3A_19 = arith.constant 0 : i32
    %dma_wait3A_20 = tpu.memref_slice %arg4[%dma_wait3A_12, %dma_wait3A_18, %dma_wait3A_19] : memref<8x163840x128xf32, #tpu.memory_space<hbm>> -> memref<1x163840x128xf32, #tpu.memory_space<hbm>>
    %dma_wait3A_21 = tpu.memref_squeeze %dma_wait3A_20 : memref<1x163840x128xf32, #tpu.memory_space<hbm>> -> memref<163840x128xf32, #tpu.memory_space<hbm>>
    %dma_wait3A_22 = arith.constant 0 : i32
    %dma_wait3A_23 = tpu.memref_slice %dma_wait3A_21[%add3A_11, %dma_wait3A_22] : memref<163840x128xf32, #tpu.memory_space<hbm>> -> memref<64x128xf32, #tpu.memory_space<hbm>>
    %dma_wait3A_24 = tpu.memref_slice %arg8[%dma_wait3A_13] : memref<8x!tpu.dma_semaphore, #tpu.memory_space<semaphore_mem>> -> memref<1x!tpu.dma_semaphore, #tpu.memory_space<semaphore_mem>>
    %dma_wait3A_25 = tpu.memref_squeeze %dma_wait3A_24 : memref<1x!tpu.dma_semaphore, #tpu.memory_space<semaphore_mem>> -> memref<!tpu.dma_semaphore, #tpu.memory_space<semaphore_mem>>
    %dma_wait3A_26 = arith.constant 0 : i32
    %dma_wait3A_27 = arith.constant 0 : i32
    %dma_wait3A_28 = tpu.memref_slice %arg4[%dma_wait3A_12, %dma_wait3A_26, %dma_wait3A_27] : memref<8x163840x128xf32, #tpu.memory_space<hbm>> -> memref<1x163840x128xf32, #tpu.memory_space<hbm>>
    %dma_wait3A_29 = tpu.memref_squeeze %dma_wait3A_28 : memref<1x163840x128xf32, #tpu.memory_space<hbm>> -> memref<163840x128xf32, #tpu.memory_space<hbm>>
    %dma_wait3A_30 = arith.constant 0 : i32
    %dma_wait3A_31 = tpu.memref_slice %dma_wait3A_29[%add3A_11, %dma_wait3A_30] : memref<163840x128xf32, #tpu.memory_space<hbm>> -> memref<64x128xf32, #tpu.memory_space<hbm>>
    %dma_wait3A_32 = arith.constant 0 : i32
    %dma_wait3A_33 = arith.constant 0 : i32
    %dma_wait3A_34 = tpu.memref_slice %arg6[%dma_wait3A, %dma_wait3A_32, %dma_wait3A_33] : memref<8x64x128xf32, #tpu.memory_space<vmem>> -> memref<1x64x128xf32, #tpu.memory_space<vmem>>
    %dma_wait3A_35 = tpu.memref_squeeze %dma_wait3A_34 : memref<1x64x128xf32, #tpu.memory_space<vmem>> -> memref<64x128xf32, #tpu.memory_space<vmem>>
    tpu.wait_dma2 semaphore(%dma_wait3A_25 : memref<!tpu.dma_semaphore, #tpu.memory_space<semaphore_mem>>) src(%dma_wait3A_35 : memref<64x128xf32, #tpu.memory_space<vmem>>) dst(%dma_wait3A_31 : memref<64x128xf32, #tpu.memory_space<hbm>>)
    %add3A_36 = arith.constant 5056 : i32
    %add3A_37 = arith.addi %mul3A_4, %add3A_36 : i32
    %dma_wait3A_38 = arith.constant 1 : i32
    %dma_wait3A_39 = arith.constant 1 : i32
    %dma_wait3A_40 = arith.constant 1 : i32
    %dma_wait3A_41 = arith.constant 0 : i32
    %dma_wait3A_42 = arith.constant 0 : i32
    %dma_wait3A_43 = tpu.memref_slice %arg6[%dma_wait3A_38, %dma_wait3A_41, %dma_wait3A_42] : memref<8x64x128xf32, #tpu.memory_space<vmem>> -> memref<1x64x128xf32, #tpu.memory_space<vmem>>
    %dma_wait3A_44 = tpu.memref_squeeze %dma_wait3A_43 : memref<1x64x128xf32, #tpu.memory_space<vmem>> -> memref<64x128xf32, #tpu.memory_space<vmem>>
    %dma_wait3A_45 = arith.constant 0 : i32
    %dma_wait3A_46 = arith.constant 0 : i32
    %dma_wait3A_47 = tpu.memref_slice %arg4[%dma_wait3A_39, %dma_wait3A_45, %dma_wait3A_46] : memref<8x163840x128xf32, #tpu.memory_space<hbm>> -> memref<1x163840x128xf32, #tpu.memory_space<hbm>>
    %dma_wait3A_48 = tpu.memref_squeeze %dma_wait3A_47 : memref<1x163840x128xf32, #tpu.memory_space<hbm>> -> memref<163840x128xf32, #tpu.memory_space<hbm>>
    %dma_wait3A_49 = arith.constant 0 : i32
    %dma_wait3A_50 = tpu.memref_slice %dma_wait3A_48[%add3A_37, %dma_wait3A_49] : memref<163840x128xf32, #tpu.memory_space<hbm>> -> memref<64x128xf32, #tpu.memory_space<hbm>>
    %dma_wait3A_51 = tpu.memref_slice %arg8[%dma_wait3A_40] : memref<8x!tpu.dma_semaphore, #tpu.memory_space<semaphore_mem>> -> memref<1x!tpu.dma_semaphore, #tpu.memory_space<semaphore_mem>>
    %dma_wait3A_52 = tpu.memref_squeeze %dma_wait3A_51 : memref<1x!tpu.dma_semaphore, #tpu.memory_space<semaphore_mem>> -> memref<!tpu.dma_semaphore, #tpu.memory_space<semaphore_mem>>
    %dma_wait3A_53 = arith.constant 0 : i32
    %dma_wait3A_54 = arith.constant 0 : i32
    %dma_wait3A_55 = tpu.memref_slice %arg4[%dma_wait3A_39, %dma_wait3A_53, %dma_wait3A_54] : memref<8x163840x128xf32, #tpu.memory_space<hbm>> -> memref<1x163840x128xf32, #tpu.memory_space<hbm>>
    %dma_wait3A_56 = tpu.memref_squeeze %dma_wait3A_55 : memref<1x163840x128xf32, #tpu.memory_space<hbm>> -> memref<163840x128xf32, #tpu.memory_space<hbm>>
    %dma_wait3A_57 = arith.constant 0 : i32
    %dma_wait3A_58 = tpu.memref_slice %dma_wait3A_56[%add3A_37, %dma_wait3A_57] : memref<163840x128xf32, #tpu.memory_space<hbm>> -> memref<64x128xf32, #tpu.memory_space<hbm>>
    %dma_wait3A_59 = arith.constant 0 : i32
    %dma_wait3A_60 = arith.constant 0 : i32
    %dma_wait3A_61 = tpu.memref_slice %arg6[%dma_wait3A_38, %dma_wait3A_59, %dma_wait3A_60] : memref<8x64x128xf32, #tpu.memory_space<vmem>> -> memref<1x64x128xf32, #tpu.memory_space<vmem>>
    %dma_wait3A_62 = tpu.memref_squeeze %dma_wait3A_61 : memref<1x64x128xf32, #tpu.memory_space<vmem>> -> memref<64x128xf32, #tpu.memory_space<vmem>>
    tpu.wait_dma2 semaphore(%dma_wait3A_52 : memref<!tpu.dma_semaphore, #tpu.memory_space<semaphore_mem>>) src(%dma_wait3A_62 : memref<64x128xf32, #tpu.memory_space<vmem>>) dst(%dma_wait3A_58 : memref<64x128xf32, #tpu.memory_space<hbm>>)
    %add3A_63 = arith.constant 5056 : i32
    %add3A_64 = arith.addi %mul3A_4, %add3A_63 : i32
    %dma_wait3A_65 = arith.constant 2 : i32
    %dma_wait3A_66 = arith.constant 2 : i32
    %dma_wait3A_67 = arith.constant 2 : i32
    %dma_wait3A_68 = arith.constant 0 : i32
    %dma_wait3A_69 = arith.constant 0 : i32
    %dma_wait3A_70 = tpu.memref_slice %arg6[%dma_wait3A_65, %dma_wait3A_68, %dma_wait3A_69] : memref<8x64x128xf32, #tpu.memory_space<vmem>> -> memref<1x64x128xf32, #tpu.memory_space<vmem>>
    %dma_wait3A_71 = tpu.memref_squeeze %dma_wait3A_70 : memref<1x64x128xf32, #tpu.memory_space<vmem>> -> memref<64x128xf32, #tpu.memory_space<vmem>>
    %dma_wait3A_72 = arith.constant 0 : i32
    %dma_wait3A_73 = arith.constant 0 : i32
    %dma_wait3A_74 = tpu.memref_slice %arg4[%dma_wait3A_66, %dma_wait3A_72, %dma_wait3A_73] : memref<8x163840x128xf32, #tpu.memory_space<hbm>> -> memref<1x163840x128xf32, #tpu.memory_space<hbm>>
    %dma_wait3A_75 = tpu.memref_squeeze %dma_wait3A_74 : memref<1x163840x128xf32, #tpu.memory_space<hbm>> -> memref<163840x128xf32, #tpu.memory_space<hbm>>
    %dma_wait3A_76 = arith.constant 0 : i32
    %dma_wait3A_77 = tpu.memref_slice %dma_wait3A_75[%add3A_64, %dma_wait3A_76] : memref<163840x128xf32, #tpu.memory_space<hbm>> -> memref<64x128xf32, #tpu.memory_space<hbm>>
    %dma_wait3A_78 = tpu.memref_slice %arg8[%dma_wait3A_67] : memref<8x!tpu.dma_semaphore, #tpu.memory_space<semaphore_mem>> -> memref<1x!tpu.dma_semaphore, #tpu.memory_space<semaphore_mem>>
    %dma_wait3A_79 = tpu.memref_squeeze %dma_wait3A_78 : memref<1x!tpu.dma_semaphore, #tpu.memory_space<semaphore_mem>> -> memref<!tpu.dma_semaphore, #tpu.memory_space<semaphore_mem>>
    %dma_wait3A_80 = arith.constant 0 : i32
    %dma_wait3A_81 = arith.constant 0 : i32
    %dma_wait3A_82 = tpu.memref_slice %arg4[%dma_wait3A_66, %dma_wait3A_80, %dma_wait3A_81] : memref<8x163840x128xf32, #tpu.memory_space<hbm>> -> memref<1x163840x128xf32, #tpu.memory_space<hbm>>
    %dma_wait3A_83 = tpu.memref_squeeze %dma_wait3A_82 : memref<1x163840x128xf32, #tpu.memory_space<hbm>> -> memref<163840x128xf32, #tpu.memory_space<hbm>>
    %dma_wait3A_84 = arith.constant 0 : i32
    %dma_wait3A_85 = tpu.memref_slice %dma_wait3A_83[%add3A_64, %dma_wait3A_84] : memref<163840x128xf32, #tpu.memory_space<hbm>> -> memref<64x128xf32, #tpu.memory_space<hbm>>
    %dma_wait3A_86 = arith.constant 0 : i32
    %dma_wait3A_87 = arith.constant 0 : i32
    %dma_wait3A_88 = tpu.memref_slice %arg6[%dma_wait3A_65, %dma_wait3A_86, %dma_wait3A_87] : memref<8x64x128xf32, #tpu.memory_space<vmem>> -> memref<1x64x128xf32, #tpu.memory_space<vmem>>
    %dma_wait3A_89 = tpu.memref_squeeze %dma_wait3A_88 : memref<1x64x128xf32, #tpu.memory_space<vmem>> -> memref<64x128xf32, #tpu.memory_space<vmem>>
    tpu.wait_dma2 semaphore(%dma_wait3A_79 : memref<!tpu.dma_semaphore, #tpu.memory_space<semaphore_mem>>) src(%dma_wait3A_89 : memref<64x128xf32, #tpu.memory_space<vmem>>) dst(%dma_wait3A_85 : memref<64x128xf32, #tpu.memory_space<hbm>>)
    %add3A_90 = arith.constant 5056 : i32
    %add3A_91 = arith.addi %mul3A_4, %add3A_90 : i32
    %dma_wait3A_92 = arith.constant 3 : i32
    %dma_wait3A_93 = arith.constant 3 : i32
    %dma_wait3A_94 = arith.constant 3 : i32
    %dma_wait3A_95 = arith.constant 0 : i32
    %dma_wait3A_96 = arith.constant 0 : i32
    %dma_wait3A_97 = tpu.memref_slice %arg6[%dma_wait3A_92, %dma_wait3A_95, %dma_wait3A_96] : memref<8x64x128xf32, #tpu.memory_space<vmem>> -> memref<1x64x128xf32, #tpu.memory_space<vmem>>
    %dma_wait3A_98 = tpu.memref_squeeze %dma_wait3A_97 : memref<1x64x128xf32, #tpu.memory_space<vmem>> -> memref<64x128xf32, #tpu.memory_space<vmem>>
    %dma_wait3A_99 = arith.constant 0 : i32
    %dma_wait3A_100 = arith.constant 0 : i32
    %dma_wait3A_101 = tpu.memref_slice %arg4[%dma_wait3A_93, %dma_wait3A_99, %dma_wait3A_100] : memref<8x163840x128xf32, #tpu.memory_space<hbm>> -> memref<1x163840x128xf32, #tpu.memory_space<hbm>>
    %dma_wait3A_102 = tpu.memref_squeeze %dma_wait3A_101 : memref<1x163840x128xf32, #tpu.memory_space<hbm>> -> memref<163840x128xf32, #tpu.memory_space<hbm>>
    %dma_wait3A_103 = arith.constant 0 : i32
    %dma_wait3A_104 = tpu.memref_slice %dma_wait3A_102[%add3A_91, %dma_wait3A_103] : memref<163840x128xf32, #tpu.memory_space<hbm>> -> memref<64x128xf32, #tpu.memory_space<hbm>>
    %dma_wait3A_105 = tpu.memref_slice %arg8[%dma_wait3A_94] : memref<8x!tpu.dma_semaphore, #tpu.memory_space<semaphore_mem>> -> memref<1x!tpu.dma_semaphore, #tpu.memory_space<semaphore_mem>>
    %dma_wait3A_106 = tpu.memref_squeeze %dma_wait3A_105 : memref<1x!tpu.dma_semaphore, #tpu.memory_space<semaphore_mem>> -> memref<!tpu.dma_semaphore, #tpu.memory_space<semaphore_mem>>
    %dma_wait3A_107 = arith.constant 0 : i32
    %dma_wait3A_108 = arith.constant 0 : i32
    %dma_wait3A_109 = tpu.memref_slice %arg4[%dma_wait3A_93, %dma_wait3A_107, %dma_wait3A_108] : memref<8x163840x128xf32, #tpu.memory_space<hbm>> -> memref<1x163840x128xf32, #tpu.memory_space<hbm>>
    %dma_wait3A_110 = tpu.memref_squeeze %dma_wait3A_109 : memref<1x163840x128xf32, #tpu.memory_space<hbm>> -> memref<163840x128xf32, #tpu.memory_space<hbm>>
    %dma_wait3A_111 = arith.constant 0 : i32
    %dma_wait3A_112 = tpu.memref_slice %dma_wait3A_110[%add3A_91, %dma_wait3A_111] : memref<163840x128xf32, #tpu.memory_space<hbm>> -> memref<64x128xf32, #tpu.memory_space<hbm>>
    %dma_wait3A_113 = arith.constant 0 : i32
    %dma_wait3A_114 = arith.constant 0 : i32
    %dma_wait3A_115 = tpu.memref_slice %arg6[%dma_wait3A_92, %dma_wait3A_113, %dma_wait3A_114] : memref<8x64x128xf32, #tpu.memory_space<vmem>> -> memref<1x64x128xf32, #tpu.memory_space<vmem>>
    %dma_wait3A_116 = tpu.memref_squeeze %dma_wait3A_115 : memref<1x64x128xf32, #tpu.memory_space<vmem>> -> memref<64x128xf32, #tpu.memory_space<vmem>>
    tpu.wait_dma2 semaphore(%dma_wait3A_106 : memref<!tpu.dma_semaphore, #tpu.memory_space<semaphore_mem>>) src(%dma_wait3A_116 : memref<64x128xf32, #tpu.memory_space<vmem>>) dst(%dma_wait3A_112 : memref<64x128xf32, #tpu.memory_space<hbm>>)
    %add3A_117 = arith.constant 5056 : i32
    %add3A_118 = arith.addi %mul3A_4, %add3A_117 : i32
    %dma_wait3A_119 = arith.constant 4 : i32
    %dma_wait3A_120 = arith.constant 4 : i32
    %dma_wait3A_121 = arith.constant 4 : i32
    %dma_wait3A_122 = arith.constant 0 : i32
    %dma_wait3A_123 = arith.constant 0 : i32
    %dma_wait3A_124 = tpu.memref_slice %arg6[%dma_wait3A_119, %dma_wait3A_122, %dma_wait3A_123] : memref<8x64x128xf32, #tpu.memory_space<vmem>> -> memref<1x64x128xf32, #tpu.memory_space<vmem>>
    %dma_wait3A_125 = tpu.memref_squeeze %dma_wait3A_124 : memref<1x64x128xf32, #tpu.memory_space<vmem>> -> memref<64x128xf32, #tpu.memory_space<vmem>>
    %dma_wait3A_126 = arith.constant 0 : i32
    %dma_wait3A_127 = arith.constant 0 : i32
    %dma_wait3A_128 = tpu.memref_slice %arg4[%dma_wait3A_120, %dma_wait3A_126, %dma_wait3A_127] : memref<8x163840x128xf32, #tpu.memory_space<hbm>> -> memref<1x163840x128xf32, #tpu.memory_space<hbm>>
    %dma_wait3A_129 = tpu.memref_squeeze %dma_wait3A_128 : memref<1x163840x128xf32, #tpu.memory_space<hbm>> -> memref<163840x128xf32, #tpu.memory_space<hbm>>
    %dma_wait3A_130 = arith.constant 0 : i32
    %dma_wait3A_131 = tpu.memref_slice %dma_wait3A_129[%add3A_118, %dma_wait3A_130] : memref<163840x128xf32, #tpu.memory_space<hbm>> -> memref<64x128xf32, #tpu.memory_space<hbm>>
    %dma_wait3A_132 = tpu.memref_slice %arg8[%dma_wait3A_121] : memref<8x!tpu.dma_semaphore, #tpu.memory_space<semaphore_mem>> -> memref<1x!tpu.dma_semaphore, #tpu.memory_space<semaphore_mem>>
    %dma_wait3A_133 = tpu.memref_squeeze %dma_wait3A_132 : memref<1x!tpu.dma_semaphore, #tpu.memory_space<semaphore_mem>> -> memref<!tpu.dma_semaphore, #tpu.memory_space<semaphore_mem>>
    %dma_wait3A_134 = arith.constant 0 : i32
    %dma_wait3A_135 = arith.constant 0 : i32
    %dma_wait3A_136 = tpu.memref_slice %arg4[%dma_wait3A_120, %dma_wait3A_134, %dma_wait3A_135] : memref<8x163840x128xf32, #tpu.memory_space<hbm>> -> memref<1x163840x128xf32, #tpu.memory_space<hbm>>
    %dma_wait3A_137 = tpu.memref_squeeze %dma_wait3A_136 : memref<1x163840x128xf32, #tpu.memory_space<hbm>> -> memref<163840x128xf32, #tpu.memory_space<hbm>>
    %dma_wait3A_138 = arith.constant 0 : i32
    %dma_wait3A_139 = tpu.memref_slice %dma_wait3A_137[%add3A_118, %dma_wait3A_138] : memref<163840x128xf32, #tpu.memory_space<hbm>> -> memref<64x128xf32, #tpu.memory_space<hbm>>
    %dma_wait3A_140 = arith.constant 0 : i32
    %dma_wait3A_141 = arith.constant 0 : i32
    %dma_wait3A_142 = tpu.memref_slice %arg6[%dma_wait3A_119, %dma_wait3A_140, %dma_wait3A_141] : memref<8x64x128xf32, #tpu.memory_space<vmem>> -> memref<1x64x128xf32, #tpu.memory_space<vmem>>
    %dma_wait3A_143 = tpu.memref_squeeze %dma_wait3A_142 : memref<1x64x128xf32, #tpu.memory_space<vmem>> -> memref<64x128xf32, #tpu.memory_space<vmem>>
    tpu.wait_dma2 semaphore(%dma_wait3A_133 : memref<!tpu.dma_semaphore, #tpu.memory_space<semaphore_mem>>) src(%dma_wait3A_143 : memref<64x128xf32, #tpu.memory_space<vmem>>) dst(%dma_wait3A_139 : memref<64x128xf32, #tpu.memory_space<hbm>>)
    %add3A_144 = arith.constant 5056 : i32
    %add3A_145 = arith.addi %mul3A_4, %add3A_144 : i32
    %dma_wait3A_146 = arith.constant 5 : i32
    %dma_wait3A_147 = arith.constant 5 : i32
    %dma_wait3A_148 = arith.constant 5 : i32
    %dma_wait3A_149 = arith.constant 0 : i32
    %dma_wait3A_150 = arith.constant 0 : i32
    %dma_wait3A_151 = tpu.memref_slice %arg6[%dma_wait3A_146, %dma_wait3A_149, %dma_wait3A_150] : memref<8x64x128xf32, #tpu.memory_space<vmem>> -> memref<1x64x128xf32, #tpu.memory_space<vmem>>
    %dma_wait3A_152 = tpu.memref_squeeze %dma_wait3A_151 : memref<1x64x128xf32, #tpu.memory_space<vmem>> -> memref<64x128xf32, #tpu.memory_space<vmem>>
    %dma_wait3A_153 = arith.constant 0 : i32
    %dma_wait3A_154 = arith.constant 0 : i32
    %dma_wait3A_155 = tpu.memref_slice %arg4[%dma_wait3A_147, %dma_wait3A_153, %dma_wait3A_154] : memref<8x163840x128xf32, #tpu.memory_space<hbm>> -> memref<1x163840x128xf32, #tpu.memory_space<hbm>>
    %dma_wait3A_156 = tpu.memref_squeeze %dma_wait3A_155 : memref<1x163840x128xf32, #tpu.memory_space<hbm>> -> memref<163840x128xf32, #tpu.memory_space<hbm>>
    %dma_wait3A_157 = arith.constant 0 : i32
    %dma_wait3A_158 = tpu.memref_slice %dma_wait3A_156[%add3A_145, %dma_wait3A_157] : memref<163840x128xf32, #tpu.memory_space<hbm>> -> memref<64x128xf32, #tpu.memory_space<hbm>>
    %dma_wait3A_159 = tpu.memref_slice %arg8[%dma_wait3A_148] : memref<8x!tpu.dma_semaphore, #tpu.memory_space<semaphore_mem>> -> memref<1x!tpu.dma_semaphore, #tpu.memory_space<semaphore_mem>>
    %dma_wait3A_160 = tpu.memref_squeeze %dma_wait3A_159 : memref<1x!tpu.dma_semaphore, #tpu.memory_space<semaphore_mem>> -> memref<!tpu.dma_semaphore, #tpu.memory_space<semaphore_mem>>
    %dma_wait3A_161 = arith.constant 0 : i32
    %dma_wait3A_162 = arith.constant 0 : i32
    %dma_wait3A_163 = tpu.memref_slice %arg4[%dma_wait3A_147, %dma_wait3A_161, %dma_wait3A_162] : memref<8x163840x128xf32, #tpu.memory_space<hbm>> -> memref<1x163840x128xf32, #tpu.memory_space<hbm>>
    %dma_wait3A_164 = tpu.memref_squeeze %dma_wait3A_163 : memref<1x163840x128xf32, #tpu.memory_space<hbm>> -> memref<163840x128xf32, #tpu.memory_space<hbm>>
    %dma_wait3A_165 = arith.constant 0 : i32
    %dma_wait3A_166 = tpu.memref_slice %dma_wait3A_164[%add3A_145, %dma_wait3A_165] : memref<163840x128xf32, #tpu.memory_space<hbm>> -> memref<64x128xf32, #tpu.memory_space<hbm>>
    %dma_wait3A_167 = arith.constant 0 : i32
    %dma_wait3A_168 = arith.constant 0 : i32
    %dma_wait3A_169 = tpu.memref_slice %arg6[%dma_wait3A_146, %dma_wait3A_167, %dma_wait3A_168] : memref<8x64x128xf32, #tpu.memory_space<vmem>> -> memref<1x64x128xf32, #tpu.memory_space<vmem>>
    %dma_wait3A_170 = tpu.memref_squeeze %dma_wait3A_169 : memref<1x64x128xf32, #tpu.memory_space<vmem>> -> memref<64x128xf32, #tpu.memory_space<vmem>>
    tpu.wait_dma2 semaphore(%dma_wait3A_160 : memref<!tpu.dma_semaphore, #tpu.memory_space<semaphore_mem>>) src(%dma_wait3A_170 : memref<64x128xf32, #tpu.memory_space<vmem>>) dst(%dma_wait3A_166 : memref<64x128xf32, #tpu.memory_space<hbm>>)
    %add3A_171 = arith.constant 5056 : i32
    %add3A_172 = arith.addi %mul3A_4, %add3A_171 : i32
    %dma_wait3A_173 = arith.constant 6 : i32
    %dma_wait3A_174 = arith.constant 6 : i32
    %dma_wait3A_175 = arith.constant 6 : i32
    %dma_wait3A_176 = arith.constant 0 : i32
    %dma_wait3A_177 = arith.constant 0 : i32
    %dma_wait3A_178 = tpu.memref_slice %arg6[%dma_wait3A_173, %dma_wait3A_176, %dma_wait3A_177] : memref<8x64x128xf32, #tpu.memory_space<vmem>> -> memref<1x64x128xf32, #tpu.memory_space<vmem>>
    %dma_wait3A_179 = tpu.memref_squeeze %dma_wait3A_178 : memref<1x64x128xf32, #tpu.memory_space<vmem>> -> memref<64x128xf32, #tpu.memory_space<vmem>>
    %dma_wait3A_180 = arith.constant 0 : i32
    %dma_wait3A_181 = arith.constant 0 : i32
    %dma_wait3A_182 = tpu.memref_slice %arg4[%dma_wait3A_174, %dma_wait3A_180, %dma_wait3A_181] : memref<8x163840x128xf32, #tpu.memory_space<hbm>> -> memref<1x163840x128xf32, #tpu.memory_space<hbm>>
    %dma_wait3A_183 = tpu.memref_squeeze %dma_wait3A_182 : memref<1x163840x128xf32, #tpu.memory_space<hbm>> -> memref<163840x128xf32, #tpu.memory_space<hbm>>
    %dma_wait3A_184 = arith.constant 0 : i32
    %dma_wait3A_185 = tpu.memref_slice %dma_wait3A_183[%add3A_172, %dma_wait3A_184] : memref<163840x128xf32, #tpu.memory_space<hbm>> -> memref<64x128xf32, #tpu.memory_space<hbm>>
    %dma_wait3A_186 = tpu.memref_slice %arg8[%dma_wait3A_175] : memref<8x!tpu.dma_semaphore, #tpu.memory_space<semaphore_mem>> -> memref<1x!tpu.dma_semaphore, #tpu.memory_space<semaphore_mem>>
    %dma_wait3A_187 = tpu.memref_squeeze %dma_wait3A_186 : memref<1x!tpu.dma_semaphore, #tpu.memory_space<semaphore_mem>> -> memref<!tpu.dma_semaphore, #tpu.memory_space<semaphore_mem>>
    %dma_wait3A_188 = arith.constant 0 : i32
    %dma_wait3A_189 = arith.constant 0 : i32
    %dma_wait3A_190 = tpu.memref_slice %arg4[%dma_wait3A_174, %dma_wait3A_188, %dma_wait3A_189] : memref<8x163840x128xf32, #tpu.memory_space<hbm>> -> memref<1x163840x128xf32, #tpu.memory_space<hbm>>
    %dma_wait3A_191 = tpu.memref_squeeze %dma_wait3A_190 : memref<1x163840x128xf32, #tpu.memory_space<hbm>> -> memref<163840x128xf32, #tpu.memory_space<hbm>>
    %dma_wait3A_192 = arith.constant 0 : i32
    %dma_wait3A_193 = tpu.memref_slice %dma_wait3A_191[%add3A_172, %dma_wait3A_192] : memref<163840x128xf32, #tpu.memory_space<hbm>> -> memref<64x128xf32, #tpu.memory_space<hbm>>
    %dma_wait3A_194 = arith.constant 0 : i32
    %dma_wait3A_195 = arith.constant 0 : i32
    %dma_wait3A_196 = tpu.memref_slice %arg6[%dma_wait3A_173, %dma_wait3A_194, %dma_wait3A_195] : memref<8x64x128xf32, #tpu.memory_space<vmem>> -> memref<1x64x128xf32, #tpu.memory_space<vmem>>
    %dma_wait3A_197 = tpu.memref_squeeze %dma_wait3A_196 : memref<1x64x128xf32, #tpu.memory_space<vmem>> -> memref<64x128xf32, #tpu.memory_space<vmem>>
    tpu.wait_dma2 semaphore(%dma_wait3A_187 : memref<!tpu.dma_semaphore, #tpu.memory_space<semaphore_mem>>) src(%dma_wait3A_197 : memref<64x128xf32, #tpu.memory_space<vmem>>) dst(%dma_wait3A_193 : memref<64x128xf32, #tpu.memory_space<hbm>>)
    %add3A_198 = arith.constant 5056 : i32
    %add3A_199 = arith.addi %mul3A_4, %add3A_198 : i32
    %dma_wait3A_200 = arith.constant 7 : i32
    %dma_wait3A_201 = arith.constant 7 : i32
    %dma_wait3A_202 = arith.constant 7 : i32
    %dma_wait3A_203 = arith.constant 0 : i32
    %dma_wait3A_204 = arith.constant 0 : i32
    %dma_wait3A_205 = tpu.memref_slice %arg6[%dma_wait3A_200, %dma_wait3A_203, %dma_wait3A_204] : memref<8x64x128xf32, #tpu.memory_space<vmem>> -> memref<1x64x128xf32, #tpu.memory_space<vmem>>
    %dma_wait3A_206 = tpu.memref_squeeze %dma_wait3A_205 : memref<1x64x128xf32, #tpu.memory_space<vmem>> -> memref<64x128xf32, #tpu.memory_space<vmem>>
    %dma_wait3A_207 = arith.constant 0 : i32
    %dma_wait3A_208 = arith.constant 0 : i32
    %dma_wait3A_209 = tpu.memref_slice %arg4[%dma_wait3A_201, %dma_wait3A_207, %dma_wait3A_208] : memref<8x163840x128xf32, #tpu.memory_space<hbm>> -> memref<1x163840x128xf32, #tpu.memory_space<hbm>>
    %dma_wait3A_210 = tpu.memref_squeeze %dma_wait3A_209 : memref<1x163840x128xf32, #tpu.memory_space<hbm>> -> memref<163840x128xf32, #tpu.memory_space<hbm>>
    %dma_wait3A_211 = arith.constant 0 : i32
    %dma_wait3A_212 = tpu.memref_slice %dma_wait3A_210[%add3A_199, %dma_wait3A_211] : memref<163840x128xf32, #tpu.memory_space<hbm>> -> memref<64x128xf32, #tpu.memory_space<hbm>>
    %dma_wait3A_213 = tpu.memref_slice %arg8[%dma_wait3A_202] : memref<8x!tpu.dma_semaphore, #tpu.memory_space<semaphore_mem>> -> memref<1x!tpu.dma_semaphore, #tpu.memory_space<semaphore_mem>>
    %dma_wait3A_214 = tpu.memref_squeeze %dma_wait3A_213 : memref<1x!tpu.dma_semaphore, #tpu.memory_space<semaphore_mem>> -> memref<!tpu.dma_semaphore, #tpu.memory_space<semaphore_mem>>
    %dma_wait3A_215 = arith.constant 0 : i32
    %dma_wait3A_216 = arith.constant 0 : i32
    %dma_wait3A_217 = tpu.memref_slice %arg4[%dma_wait3A_201, %dma_wait3A_215, %dma_wait3A_216] : memref<8x163840x128xf32, #tpu.memory_space<hbm>> -> memref<1x163840x128xf32, #tpu.memory_space<hbm>>
    %dma_wait3A_218 = tpu.memref_squeeze %dma_wait3A_217 : memref<1x163840x128xf32, #tpu.memory_space<hbm>> -> memref<163840x128xf32, #tpu.memory_space<hbm>>
    %dma_wait3A_219 = arith.constant 0 : i32
    %dma_wait3A_220 = tpu.memref_slice %dma_wait3A_218[%add3A_199, %dma_wait3A_219] : memref<163840x128xf32, #tpu.memory_space<hbm>> -> memref<64x128xf32, #tpu.memory_space<hbm>>
    %dma_wait3A_221 = arith.constant 0 : i32
    %dma_wait3A_222 = arith.constant 0 : i32
    %dma_wait3A_223 = tpu.memref_slice %arg6[%dma_wait3A_200, %dma_wait3A_221, %dma_wait3A_222] : memref<8x64x128xf32, #tpu.memory_space<vmem>> -> memref<1x64x128xf32, #tpu.memory_space<vmem>>
    %dma_wait3A_224 = tpu.memref_squeeze %dma_wait3A_223 : memref<1x64x128xf32, #tpu.memory_space<vmem>> -> memref<64x128xf32, #tpu.memory_space<vmem>>
    tpu.wait_dma2 semaphore(%dma_wait3A_214 : memref<!tpu.dma_semaphore, #tpu.memory_space<semaphore_mem>>) src(%dma_wait3A_224 : memref<64x128xf32, #tpu.memory_space<vmem>>) dst(%dma_wait3A_220 : memref<64x128xf32, #tpu.memory_space<hbm>>)
    return
  }
}

module attributes {stable_mosaic.version = 14 : i64} {
  func.func @body(%arg0: i32, %arg1: i32, %arg2: memref<1x512x2048xf32, #tpu.memory_space<vmem>>, %arg3: memref<2500x512xf32, #tpu.memory_space<vmem>>, %arg4: memref<2048x256xf32, #tpu.memory_space<vmem>>, %arg5: memref<1x256xf32, #tpu.memory_space<vmem>>, %arg6: memref<8x2500x256xf32, #tpu.memory_space<vmem>>) attributes {dimension_semantics = [#tpu.dimension_semantics<arbitrary>, #tpu.dimension_semantics<arbitrary>], iteration_bounds = array<i64: 20, 8>, scalar_prefetch = 0 : i64, scratch_operands = 0 : i64, tpu.core_type = #tpu.core_type<tc>, window_params = [{transform_indices = @transform_0, window_bounds = array<i64: 1, 512, 2048>}, {transform_indices = @transform_1, window_bounds = array<i64: 2500, 512>}, {pipeline_mode = #tpu.pipeline_mode<synchronous>, transform_indices = @transform_2, window_bounds = array<i64: 2048, 256>}, {pipeline_mode = #tpu.pipeline_mode<synchronous>, transform_indices = @transform_3, window_bounds = array<i64: 1, 256>}, {pipeline_mode = #tpu.pipeline_mode<synchronous>, transform_indices = @transform_4, window_bounds = array<i64: 8, 2500, 256>}]} {
    %get3A = arith.constant 0 : index
    %get3A_0 = arith.constant 0 : index
    %get3A_1 = arith.constant 0 : index
    %get3A_2 = vector.load %arg2[%get3A, %get3A_0, %get3A_1] : memref<1x512x2048xf32, #tpu.memory_space<vmem>>, vector<1x512x2048xf32>
    %get3A_3 = vector.shape_cast %get3A_2 : vector<1x512x2048xf32> to vector<512x2048xf32>
    %get3A_4 = arith.constant 0 : index
    %get3A_5 = arith.constant 0 : index
    %get3A_6 = vector.load %arg4[%get3A_4, %get3A_5] : memref<2048x256xf32, #tpu.memory_space<vmem>>, vector<2048x256xf32>
    %dot_general3A = arith.constant dense<0.000000e+00> : vector<512x256xf32>
    %dot_general3A_7 = tpu.matmul %get3A_3, %get3A_6, %dot_general3A {dimension_numbers = #tpu.dot_dimension_numbers<[1], [0], [0], [1], [0, 0, 1, 1], [], []>, transpose_lhs_hint = false} : vector<512x2048xf32>, vector<2048x256xf32>, vector<512x256xf32> -> vector<512x256xf32>
    %get3A_8 = arith.constant 0 : index
    %get3A_9 = arith.constant 0 : index
    %get3A_10 = vector.load %arg5[%get3A_8, %get3A_9] : memref<1x256xf32, #tpu.memory_space<vmem>>, vector<1x256xf32>
    %add3A = vector.broadcast %get3A_10 : vector<1x256xf32> to vector<512x256xf32>
    %add3A_11 = arith.addf %dot_general3A_7, %add3A : vector<512x256xf32>
    %max3A = arith.constant 0.000000e+00 : f32
    %max3A_12 = vector.broadcast %max3A : f32 to vector<512x256xf32>
    %max3A_13 = arith.maximumf %add3A_11, %max3A_12 : vector<512x256xf32>
    %eq3A = arith.constant 0 : i32
    %eq3A_14 = arith.cmpi eq, %arg0, %eq3A : i32
    %convert_element_type3A = arith.extui %eq3A_14 : i1 to i32
    %cond3A = arith.constant 0 : i32
    %cond3A_15 = arith.cmpi ne, %convert_element_type3A, %cond3A : i32
    scf.if %cond3A_15 {
      %broadcast_in_dim3A = arith.constant 0.000000e+00 : f32
      %broadcast_in_dim3A_32 = vector.broadcast %broadcast_in_dim3A : f32 to vector<2500x256xf32>
      %swap3A_33 = arith.index_cast %arg1 : i32 to index
      %swap3A_34 = arith.constant 0 : index
      %swap3A_35 = arith.constant 0 : index
      %swap3A_36 = vector.load %arg6[%swap3A_33, %swap3A_34, %swap3A_35] : memref<8x2500x256xf32, #tpu.memory_space<vmem>>, vector<1x2500x256xf32>
      %swap3A_37 = vector.shape_cast %swap3A_36 : vector<1x2500x256xf32> to vector<2500x256xf32>
      %swap3A_38 = vector.shape_cast %broadcast_in_dim3A_32 : vector<2500x256xf32> to vector<1x2500x256xf32>
      tpu.vector_store %arg6[%swap3A_33, %swap3A_34, %swap3A_35], %swap3A_38 {strides = array<i32>} : memref<8x2500x256xf32, #tpu.memory_space<vmem>>, vector<1x2500x256xf32>,
    } else {
    }
    %get3A_16 = arith.index_cast %arg1 : i32 to index
    %get3A_17 = arith.constant 0 : index
    %get3A_18 = arith.constant 0 : index
    %get3A_19 = vector.load %arg6[%get3A_16, %get3A_17, %get3A_18] : memref<8x2500x256xf32, #tpu.memory_space<vmem>>, vector<1x2500x256xf32>
    %get3A_20 = vector.shape_cast %get3A_19 : vector<1x2500x256xf32> to vector<2500x256xf32>
    %get3A_21 = arith.constant 0 : index
    %get3A_22 = arith.constant 0 : index
    %get3A_23 = vector.load %arg3[%get3A_21, %get3A_22] : memref<2500x512xf32, #tpu.memory_space<vmem>>, vector<2500x512xf32>
    %dot_general3A_24 = arith.constant dense<0.000000e+00> : vector<2500x256xf32>
    %dot_general3A_25 = tpu.matmul %get3A_23, %max3A_13, %dot_general3A_24 {dimension_numbers = #tpu.dot_dimension_numbers<[1], [0], [0], [1], [0, 0, 1, 1], [], []>, transpose_lhs_hint = false} : vector<2500x512xf32>, vector<512x256xf32>, vector<2500x256xf32> -> vector<2500x256xf32>
    %add3A_26 = arith.addf %get3A_20, %dot_general3A_25 : vector<2500x256xf32>
    %swap3A = arith.index_cast %arg1 : i32 to index
    %swap3A_27 = arith.constant 0 : index
    %swap3A_28 = arith.constant 0 : index
    %swap3A_29 = vector.load %arg6[%swap3A, %swap3A_27, %swap3A_28] : memref<8x2500x256xf32, #tpu.memory_space<vmem>>, vector<1x2500x256xf32>
    %swap3A_30 = vector.shape_cast %swap3A_29 : vector<1x2500x256xf32> to vector<2500x256xf32>
    %swap3A_31 = vector.shape_cast %add3A_26 : vector<2500x256xf32> to vector<1x2500x256xf32>
    tpu.vector_store %arg6[%swap3A, %swap3A_27, %swap3A_28], %swap3A_31 {strides = array<i32>} : memref<8x2500x256xf32, #tpu.memory_space<vmem>>, vector<1x2500x256xf32>,
    return
  }
  func.func @transform_0(%arg0: i32, %arg1: i32) -> (i32, i32, i32) {
    %c0_i32 = arith.constant 0 : i32
    %c0_i32_0 = arith.constant 0 : i32
    return %arg1, %arg0, %c0_i32 : i32, i32, i32
  }
  func.func @transform_1(%arg0: i32, %arg1: i32) -> (i32, i32) {
    %c0_i32 = arith.constant 0 : i32
    %c0_i32_0 = arith.constant 0 : i32
    return %c0_i32, %arg0 : i32, i32
  }
  func.func @transform_2(%arg0: i32, %arg1: i32) -> (i32, i32) {
    %c0_i32 = arith.constant 0 : i32
    %c0_i32_0 = arith.constant 0 : i32
    %c0_i32_1 = arith.constant 0 : i32
    return %c0_i32, %c0_i32_0 : i32, i32
  }
  func.func @transform_3(%arg0: i32, %arg1: i32) -> (i32, i32) {
    %c0_i32 = arith.constant 0 : i32
    %c0_i32_0 = arith.constant 0 : i32
    %c0_i32_1 = arith.constant 0 : i32
    return %c0_i32, %c0_i32_0 : i32, i32
  }
  func.func @transform_4(%arg0: i32, %arg1: i32) -> (i32, i32, i32) {
    %c0_i32 = arith.constant 0 : i32
    %c0_i32_0 = arith.constant 0 : i32
    %c0_i32_1 = arith.constant 0 : i32
    %c0_i32_2 = arith.constant 0 : i32
    return %c0_i32, %c0_i32_0, %c0_i32_1 : i32, i32, i32
  }
}

</mosaic_0001>

<sc_bundles>
// kernel: kernel.4.cloned.1.call-start
scs
__scs_entry_jumppad:
0x0: {  	(pc) =	sbr.rel $0x88, $3  }
0x1: {  	(tag) =	ssettag $0x0;
	lr =	simm.s32 $0x1  }
0x2: {  	[smem:$0x3F9C] =	sst lr;
	_ =	strace $0xD0000000  }
0x3: {  	_ = 	snop  }
0x4: {  	_ = 	snop  }
0x5: {  	_ = 	snop  }
0x6: {  	_ = 	snop  }
0x7: {  	_ = 	snop  }
__scs_overlays_trampoline_lowered:
0x8: {  	[smem:$0x3FAB] =	sst s0  }
0x9: {  	[smem:$0x3FAC] =	sst s1  }
0xa: {  	[smem:$0x3FAD] =	sst s2  }
0xb: {  	[smem:$0x3FAE] =	sst s3  }
0xc: {  	[smem:$0x3FAF] =	sst s4  }
0xd: {  	[smem:$0x3FB0] =	sst s5  }
0xe: {  	[smem:$0x3FB1] =	sst s6  }
0xf: {  	[smem:$0x3FB2] =	sst s7  }
0x10: {  	[smem:$0x3FB3] =	sst s8  }
0x11: {  	[smem:$0x3FB4] =	sst s9;
	s0 =	simm.s32 @!p0 $0x0  }
0x12: {  	s1 =	sld [smem:$0x3F9A];
	s0 =	simm.s32 @p0 $0x1  }
0x13: {  	[smem:$0x3FB5] =	sst s0;
	s0 =	simm.s32 @!p1 $0x0  }
0x14: {  	s2 =	sld [smem:$0x3F99];
	s0 =	simm.s32 @p1 $0x1  }
0x15: {  	[smem:$0x3FB6] =	sst s0;
	s0 =	simm.s32 @!p2 $0x0  }
0x16: {  	s3 =	sld [smem:$0x3FDB];
	s0 =	simm.s32 @p2 $0x1  }
0x17: {  	s4 =	simm.s32 $0x1BF5;
	[smem:$0x3FB8] =	sst s0  }
0x18: {  	s0 =	sld [smem:$0x3F9B];
	_ =	swait.ge [sflag:s4], $0x0  }
0x19: {  	s7 =	sld [smem:$0x3F9C]  }
0x1a: {  	s8 =	sadd.s32 $0xFFFFE003, lr  }
0x1b: {  	s9 =	sadd.s32 $0xFFFFFEF7, lr;
	s5 =	simm.s32 $0xFFFFFFFF;
	p2 =	slt.u32 s8, $0xFFFFF086  }
0x1c: {  	p1 =	slt.u32 s9, $0xF7A;
	s5 =	simm.s32 @!p2 $0x0  }
0x1d: {  	s5 =	simm.s32 @p1 $0x1;
	p0 =	seq.s32 s7, s2  }
0x1e: {  	s7 =	smul.u32 @!p0 $0xF7A, s2;
	p2 =	seq.s32 @!p0 s5, $0x0  }
0x1f: {  	s9 =	smul.u32 $0xF7A, s1;
	s8 =	simm.s32 @!p0 $0x1BF5;
	p2 =	por !p2, p0  }
0x20: {  	[sflag:s8] =	ssyncset.s32 @!p0 $0xFFFFF086;
	s6 =	sadd.s32 @!p0 s3, s7;
	s7 =	simm.s32 @!p0 $0x108  }
0x21: {  	s3 =	sadd.s32 s3, s9;
	s6 =	sadd.s32 @!p0 $0x88, s6;
	s7 =	simm.s32 @p2 $0x1082  }
0x22: {  	[simem:s7], [sflag:s8] =	dma.local @!p0 [hbm:s6], $0xF7A  }
0x23: {  	s9 =	sor.u32 $0xD0000000, s2;
	s6 =	simm.s32 $0x108;
	_ =	swait.ge @!p0 [sflag:s8], $0x0  }
0x24: {  	s3 =	sadd.s32 $0x88, s3;
	s6 =	simm.s32 @!p1 $0x1082;
	[sflag:s4] =	ssyncset.s32 $0xFFFFF086  }
0x25: {  	[simem:s6], [sflag:s4] =	dma.local [hbm:s3], $0xF7A  }
0x26: {  	[smem:$0x3F9C] =	sst s1;
	(tag) =	ssettag s2;
	_ =	strace s9  }
0x27: {  	s1 =	sld [smem:$0x3FAC]  }
0x28: {  	s2 =	sld [smem:$0x3FAD]  }
0x29: {  	s4 =	sld [smem:$0x3FAF]  }
0x2a: {  	p0 =	seq.s32 s5, $0x0;
	s5 =	sld [smem:$0x3FB0]  }
0x2b: {  	s6 =	sld [smem:$0x3FB1]  }
0x2c: {  	s7 =	sld [smem:$0x3FB2]  }
0x2d: {  	s3 =	simm.s32 $0x108;
	s8 =	sld [smem:$0x3FB3]  }
0x2e: {  	s3 =	simm.s32 @!p0 $0x1082;
	s9 =	sld [smem:$0x3FB4]  }
0x2f: {  	lr =	sadd.s32 s0, s3;
	s0 =	sld [smem:$0x3FAB]  }
0x30: {  	s3 =	sld [smem:$0x3FAE]  }
0x31: {  	[smem:$0x3FB7] =	sst s10  }
0x32: {  	s10 =	sld [smem:$0x3FB5];
	_ =	sdelay $0x3  }
0x33: {  	p0 =	seq.s32 s10, $0x1;
	s10 =	sld [smem:$0x3FB7];
	_ =	sdelay $0x3  }
0x34: {  	[smem:$0x3FB7] =	sst s10  }
0x35: {  	s10 =	sld [smem:$0x3FB6];
	_ =	sdelay $0x3  }
0x36: {  	p1 =	seq.s32 s10, $0x1;
	s10 =	sld [smem:$0x3FB7];
	_ =	sdelay $0x3  }
0x37: {  	[smem:$0x3FB7] =	sst s10  }
0x38: {  	s10 =	sld [smem:$0x3FB8]  }
0x39: {  	_ = 	snop;
	(pc) =	sbr.ind lr, $3  }
0x3a: {  	_ = 	snop  }
0x3b: {  	_ = 	snop  }
0x3c: {  	p2 =	seq.s32 s10, $0x1;
	s10 =	sld [smem:$0x3FB7]  }
0x3d: {  	_ =	shalt  }
0x3e: {  	_ =	shalt  }
0x3f: {  	_ =	shalt  }
0x40: {  	_ =	shalt  }
0x41: {  	_ =	shalt  }
0x42: {  	_ =	shalt  }
0x43: {  	_ =	shalt  }
0x44: {  	_ =	shalt  }
0x45: {  	_ =	shalt  }
0x46: {  	_ =	shalt  }
0x47: {  	_ =	shalt  }
0x48: {  	_ =	shalt  }
0x49: {  	_ =	shalt  }
0x4a: {  	_ =	shalt  }
0x4b: {  	_ =	shalt  }
0x4c: {  	_ =	shalt  }
0x4d: {  	_ =	shalt  }
0x4e: {  	_ =	shalt  }
0x4f: {  	_ =	shalt  }
0x50: {  	_ =	shalt  }
0x51: {  	_ =	shalt  }
0x52: {  	_ =	shalt  }
0x53: {  	_ =	shalt  }
0x54: {  	_ =	shalt  }
0x55: {  	_ =	shalt  }
0x56: {  	_ =	shalt  }
0x57: {  	_ =	shalt  }
0x58: {  	_ =	shalt  }
0x59: {  	_ =	shalt  }
0x5a: {  	_ =	shalt  }
0x5b: {  	_ =	shalt  }
0x5c: {  	_ =	shalt  }
0x5d: {  	_ =	shalt  }
0x5e: {  	_ =	shalt  }
0x5f: {  	_ =	shalt  }
0x60: {  	_ =	shalt  }
0x61: {  	_ =	shalt  }
0x62: {  	_ =	shalt  }
0x63: {  	_ =	shalt  }
0x64: {  	_ =	shalt  }
0x65: {  	_ =	shalt  }
0x66: {  	_ =	shalt  }
0x67: {  	_ =	shalt  }
0x68: {  	_ =	shalt  }
0x69: {  	_ =	shalt  }
0x6a: {  	_ =	shalt  }
0x6b: {  	_ =	shalt  }
0x6c: {  	_ =	shalt  }
0x6d: {  	_ =	shalt  }
0x6e: {  	_ =	shalt  }
0x6f: {  	_ =	shalt  }
0x70: {  	_ =	shalt  }
0x71: {  	_ =	shalt  }
0x72: {  	_ =	shalt  }
0x73: {  	_ =	shalt  }
0x74: {  	_ =	shalt  }
0x75: {  	_ =	shalt  }
0x76: {  	_ =	shalt  }
0x77: {  	_ =	shalt  }
0x78: {  	_ =	shalt  }
0x79: {  	_ =	shalt  }
0x7a: {  	_ =	shalt  }
0x7b: {  	_ =	shalt  }
0x7c: {  	_ =	shalt  }
0x7d: {  	_ =	shalt  }
0x7e: {  	_ =	shalt  }
0x7f: {  	_ =	shalt  }
0x80: {  	_ =	shalt  }
0x81: {  	_ =	shalt  }
0x82: {  	_ =	shalt  }
0x83: {  	_ =	shalt  }
0x84: {  	_ =	shalt  }
0x85: {  	_ =	shalt  }
0x86: {  	_ =	shalt  }
0x87: {  	_ =	shalt  }
.Lfunc_end0:
.L_simem_size_0:
called_computation_lowered:
.L_overlay_start_0:
0x88: {  	s2 =	sld [smem:$0x3FD9]  }
0x89: {  	s3 =	sld [smem:$0x3FFE];
	_ =	sdelay $0x1  }
0x8a: {  	s1 =	srdreg.scid  }
0x8b: {  	s0 =	sand.u32 $0x1, s1  }
0x8c: {  	s17 =	sshll.u32 s0, $0xA;
	s2 =	sadd.s32 s3, s2  }
0x8d: {  	s2 =	sadd.s32 s2, s17  }
0x8e: {  	[smem:$0x3FC3] =	sst s2  }
0x8f: {  	_ = 	snop  }
0x90: {  	s2 =	sld [smem:$0x3FC9]  }
0x91: {  	s18 =	sld [smem:$0x3FD0];
	(tm) =	ssettm $0x1  }
0x92: {  	s4 =	sld [smem:$0x3FFB];
	_ =	sdelay $0x3  }
0x93: {  	_ =	strace s4  }
0x94: {  	s4 =	sld [smem:$0x3FFC];
	_ =	sdelay $0x3  }
0x95: {  	_ =	strace s4  }
0x96: {  	s4 =	sld [smem:$0x3FFD];
	_ =	sdelay $0x3  }
0x97: {  	_ =	strace s4  }
0x98: {  	_ =	strace $0x8FFFFFFF  }
0x99: {  	s19 =	sld [smem:$0x3FDB];
	_ =	sdelay $0x1  }
0x9a: {  	s5 =	simm.s32 $_scs_section_size  }
0x9b: {  	s6 =	simm.s32 $_size__tile_overlayer_lowered;
	s7 =	simm.s32 $_tile_overlayer_lowered  }
0x9c: {  	s22 =	simm.s32 $0x1BFF;
	s21 =	sshll.u32 s7, $0x1;
	s4 =	sadd.s32 s5, s19  }
0x9d: {  	s8 =	simm.s32 $0x0;
	s20 =	sshll.u32 s6, $0x1;
	s6 =	sadd.s32 s21, s4  }
0x9e: {  	[timem:s8], [sflag:s22] =	dma.local [hbm:s6], s20  }
0x9f: {  	_ =	swait.ge [sflag:s22], s20  }
0xa0: {  	s5 =	ssub.s32 $0x0, s20;
	[sflag:s22] =	ssyncset.done $0x0  }
0xa1: {  	[sflag:s22] =	ssyncadd.s32 s5;
	_ =	sdelay $0x1  }
0xa2: {  	s23 =	simm.s32 $0x1B8B  }
0xa3: {  	_ =	swait.ge [sflag:s23], $0x1  }
0xa4: {  	[sflag:s23] =	ssyncset.done $0x0  }
0xa5: {  	s25 =	simm.s32 $0x1B8E;
	s24 =	sld [smem:$0x3FFE];
	[sflag:s23] =	ssyncadd.s32 $0xFFFFFFFF  }
0xa6: {  	s26 =	simm.s32 $execute0_lowered;
	[smem:$0x3FD2] =	sst s25  }
0xa7: {  	s6 =	sshll.u32 s26, $0x1;
	_ =	strace $0x80000046;
	[dreg:$0x1] =	wrdreg $0xFFFFFFFF  }
0xa8: {  	s28 =	simm.s32 $_size_execute0_lowered;
	s4 =	sadd.s32 s4, s6;
	[dreg:$0x0] =	wrdreg $0x0  }
0xa9: {  	s6 =	sshll.u32 s28, $0x1;
	[dreg:$0x2] =	wrdreg s4  }
0xaa: {  	[dreg:$0x3] =	wrdreg s6  }
0xab: {  	[dreg:$0x4] =	wrdreg $0xC0  }
0xac: {  	_ =	task [dreg:s8], $0x5FFFF  }
0xad: {  	[dreg:$0x1] =	wrdreg $0xFFFFFFFF  }
0xae: {  	[dreg:$0x0] =	wrdreg $0x60  }
0xaf: {  	[dreg:$0x2] =	wrdreg s2  }
0xb0: {  	[dreg:$0x3] =	wrdreg s18  }
0xb1: {  	[dreg:$0x4] =	wrdreg s24  }
0xb2: {  	[dreg:$0x5] =	wrdreg $0x9  }
0xb3: {  	_ =	task.clear_ibuf [dreg:s8], $0x6FFFF;
	_ =	strace $0x90000046  }
0xb4: {  	s29 =	simm.s32 $0x9;
	_ =	strace $0x80000048  }
0xb5: {  	_ =	swait.ge [sflag:s29], $0x1  }
0xb6: {  	[sflag:s29] =	ssyncadd.s32 $0xFFFFFFFF  }
0xb7: {  	_ =	strace $0x90000048  }
0xb8: {  	_ =	sfence  }
0xb9: {  	s30 =	sld [smem:$0x0];
	_ =	sdelay $0x2  }
0xba: {  	s31 =	sshll.u32 s1, $0xD;
	s1 =	sshrl.u32 s1, $0x2  }
0xbb: {  	s3 =	sand.u32 $0x4000, s31;
	s1 =	sadd.s32 s1, s30  }
0xbc: {  	s0 =	sor.u32 s3, s0;
	s1 =	sshll.u32 s1, $0x11  }
0xbd: {  	s0 =	sor.u32 s1, s0  }
0xbe: {  	s0 =	sadd.s32 $0x8F2B, s0  }
0xbf: {  	[sflag:s0] =	ssyncadd.remote.s32 $0x1  }
0xc0: {  	_ =	sfence.sel $0xFFFF  }
0xc1: {  	[dreg:$0x0] =	wrdreg $0xFFFFFFFF;
	(pc) =	sbr.abs _section_cstart, $3  }
0xc2: {  	[dreg:$0x1] =	wrdreg $0xFFFFFFFF  }
0xc3: {  	_ =	task.clear_ibuf [dreg:s8], $0x2FFFF;
	_ =	strace $0x9FFFFFFF  }
0xc4: {  	(tm) =	ssettm $0x7FFFFFFF  }
0xc5: {  	_ =	shalt  }
tec
execute0_lowered:
.L_overlay_start_1:
0x0: {  	(tag) =	ssettag $0x1  }
0x1: {  	s1 =	rddreg [dreg:$0x0]  }
0x2: {  	s0 =	rddreg [dreg:$0x1]  }
0x3: {  	s2 =	rddreg [dreg:$0x2]  }
0x4: {  	s4 =	srdreg.scid;
	s7 =	stileid.u32  }
0x5: {  	s3 =	simm.s32 $0x0;
	s15 =	simm.s32 $0x2800;
	s11 =	simm.s32 $0x4800  }
0x6: {  	s12 =	simm.s32 $0x8800;
	s14 =	simm.s32 $0x10800;
	s29 =	simm.s32 $0xE  }
0x7: {  	s30 =	simm.s32 $0xF;
	s31 =	simm.s32 $0x10;
	s4 =	sand.u32 $0x1, s4  }
0x8: {  	s5 =	smul.u32 $0x140000, s7;
	[smem:$0x7FF] =	sst s3;
	s22 =	sadd.s32 $0x27100, s1  }
0x9: {  	s23 =	sadd.s32 $0x75300, s1;
	s24 =	sadd.s32 $0xC3500, s1;
	s25 =	sadd.s32 $0x111700, s1  }
0xa: {  	s7 =	sshll.u32 s7, $0x1;
	s26 =	sadd.s32 $0x280800, s2;
	s13 =	sadd.s32 $0x500800, s2  }
0xb: {  	s28 =	sadd.s32 $0x780800, s2;
	_ =	strace $0x80000047;
	[dreg:$0x4] =	wrdreg s22  }
0xc: {  	s16 =	sadd.s32 $0xA00800, s2;
	s18 =	sadd.s32 $0xC80800, s2;
	[dreg:$0x5] =	wrdreg s23  }
0xd: {  	s19 =	sadd.s32 $0xF00800, s2;
	s6 =	smul.u32 $0xA0000, s4;
	[dreg:$0x6] =	wrdreg s24  }
0xe: {  	s20 =	ssub.s32 $0x2, s4;
	s4 =	sor.u32 s4, s7;
	[dreg:$0x7] =	wrdreg s25  }
0xf: {  	s7 =	sadd.s32 $0xEA600, s1;
	[dreg:$0x9] =	wrdreg s15;
	s15 =	simm.s32 $0x1  }
0x10: {  	s23 =	simm.s32 $0xA800;
	s21 =	sshrl.u32 s20, $0x1;
	s4 =	smul.u32 $0x500, s4  }
0x11: {  	[dreg:$0xf] =	wrdreg s23;
	s5 =	sadd.s32 s6, s5;
	s10 =	ssub.s32 s20, s21  }
0x12: {  	s6 =	sadd.s32 $0x9C400, s1;
	s20 =	simm.s32 $0x6800;
	s8 =	sshrl.u32 s5, $0x3  }
0x13: {  	s0 =	sadd.s32 s0, s4;
	s5 =	sadd.s32 $0x4E200, s1;
	[dreg:$0xc] =	wrdreg s20  }
0x14: {  	s10 =	smax.u32 s10, $0x1;
	s20 =	simm.s32 $0x6;
	[dreg:$0x14] =	wrdreg s0  }
0x15: {  	s9 =	sadd.s32 s8, s2;
	[dreg:$0x15] =	wrdreg s10;
	s0 =	sadd.s32 s26, s8  }
0x16: {  	s2 =	sadd.s32 $0x1180800, s2;
	s17 =	sadd.s32 s13, s8;
	[dreg:$0xa] =	wrdreg s0  }
0x17: {  	s10 =	simm.s32 $0x40;
	s21 =	sadd.s32 s28, s8;
	[dreg:$0xb] =	wrdreg s17  }
0x18: {  	s13 =	simm.s32 $0xC800;
	s22 =	sadd.s32 s16, s8;
	[dreg:$0xd] =	wrdreg s21  }
0x19: {  	s16 =	simm.s32 $0x2;
	s24 =	sadd.s32 s18, s8;
	[dreg:$0xe] =	wrdreg s22  }
0x1a: {  	s18 =	simm.s32 $0x4;
	s25 =	sadd.s32 s19, s8;
	[dreg:$0x10] =	wrdreg s24  }
0x1b: {  	s19 =	simm.s32 $0x5;
	s26 =	simm.s32 $0xE800;
	[dreg:$0x11] =	wrdreg s25  }
0x1c: {  	s9 =	sadd.s32 $0x800, s9;
	s17 =	simm.s32 $0x3;
	[dreg:$0x12] =	wrdreg s26  }
0x1d: {  	s28 =	sadd.s32 s2, s8;
	s21 =	simm.s32 $0x7;
	[dreg:$0x8] =	wrdreg s9  }
0x1e: {  	s22 =	simm.s32 $0x8;
	s0 =	simm.s32 $0x0;
	[dreg:$0x13] =	wrdreg s28  }
.LBB2_1:
0x1f: {  	s2 =	rddreg [dreg:$0x14];
	s25 =	simm.s32 $0x11  }
0x20: {  	[tilespmem:s3], [sflag:$0x11] =	stream.linear.gather [hbm4b:s2+s3], $0x2800, $0x38;
	[tilespmem:$0x12800] =	vst v63  }
0x21: {  	p0 =	por $0x0, $0x0;
	_ =	swait.ge [sflag:s25], $0x2800  }
0x22: {  	p0 =	por p0, p0;
	[sflag:s25] =	ssyncset.done $0x0  }
0x23: {  	s2 =	simm.s32 @p0 $0x9;
	[sflag:s25] =	ssyncadd.s32 $0xFFFFD800  }
0x24: {  	_ =	swait.ge @p0 [sflag:s2], $0x2000  }
0x25: {  	s4 =	simm.s32 @p0 $0xA;
	[sflag:s2] =	ssyncset.done @p0 $0x0  }
0x26: {  	s8 =	simm.s32 @p0 $0x2800;
	[sflag:s2] =	ssyncadd.s32 @p0 $0xFFFFE000;
	s2 =	simm.s32 @p0 $0x40  }
0x27: {  	[tilespmem:s8], [sflag:$0x1] =	stream.indirect.gather @p0 [hbm4b:s1+s2], $0x80, s3, s2, $0xb8;
	[tilespmem:$0x12800] =	vst v63  }
0x28: {  	_ =	swait.ge @p0 [sflag:s4], $0x2000  }
0x29: {  	s2 =	simm.s32 @!p0 $0x0;
	[sflag:s4] =	ssyncset.done @p0 $0x0  }
0x2a: {  	s8 =	simm.s32 @!p0 $0x2800;
	[sflag:s4] =	ssyncadd.s32 @p0 $0xFFFFE000;
	s4 =	simm.s32 @!p0 $0x40  }
0x2b: {  	[tilespmem:s8], [sflag:$0x1] =	stream.indirect.gather @!p0 [hbm4b:s1+s4], $0x80, s2, s4, $0xb8;
	[tilespmem:$0x12800] =	vst v63  }
0x2c: {  	s2 =	simm.s32 $0x0  }
0x2d: {  	s9 =	rddreg [dreg:$0x4];
	s2 =	simm.s32 @!p0 $0x0;
	p0 =	por $0x1, $0x1  }
0x2e: {  	[tilespmem:s11], [sflag:$0x2] =	stream.indirect.gather [hbm4b:s9+s10], $0x80, s2, s10, $0xb8;
	[tilespmem:$0x12800] =	vst v63  }
0x2f: {  	s4 =	simm.s32 @p0 $0x40;
	s8 =	simm.s32 @p0 $0x6800;
	s9 =	simm.s32 @!p0 $0xB  }
0x30: {  	[tilespmem:s8], [sflag:$0x3] =	stream.indirect.gather @p0 [hbm4b:s5+s4], $0x80, s2, s4, $0xb8;
	[tilespmem:$0x12800] =	vst v63  }
0x31: {  	_ =	swait.ge @!p0 [sflag:s9], $0x2000  }
0x32: {  	s23 =	simm.s32 @!p0 $0x6800;
	[sflag:s9] =	ssyncset.done @!p0 $0x0  }
0x33: {  	s8 =	simm.s32 @!p0 $0xC;
	[sflag:s9] =	ssyncadd.s32 @!p0 $0xFFFFE000;
	s9 =	simm.s32 @!p0 $0x40  }
0x34: {  	[tilespmem:s23], [sflag:$0x3] =	stream.indirect.gather @!p0 [hbm4b:s5+s9], $0x80, s2, s9, $0xb8;
	[tilespmem:$0x12800] =	vst v63  }
0x35: {  	_ =	swait.ge @!p0 [sflag:s8], $0x2000  }
0x36: {  	[sflag:s8] =	ssyncset.done @!p0 $0x0  }
0x37: {  	s26 =	rddreg [dreg:$0x5];
	[sflag:s8] =	ssyncadd.s32 @!p0 $0xFFFFE000  }
0x38: {  	[tilespmem:s12], [sflag:$0x4] =	stream.indirect.gather [hbm4b:s26+s10], $0x80, s2, s10, $0xb8;
	[tilespmem:$0x12800] =	vst v63  }
0x39: {  	s23 =	simm.s32 @!p0 $0xD;
	s8 =	simm.s32 @p0 $0xA800  }
0x3a: {  	[tilespmem:s8], [sflag:$0x5] =	stream.indirect.gather @p0 [hbm4b:s6+s4], $0x80, s2, s4, $0xb8;
	[tilespmem:$0x12800] =	vst v63  }
0x3b: {  	_ =	swait.ge @!p0 [sflag:s23], $0x2000  }
0x3c: {  	[sflag:s23] =	ssyncset.done @!p0 $0x0  }
0x3d: {  	s8 =	simm.s32 @!p0 $0xA800;
	[sflag:s23] =	ssyncadd.s32 @!p0 $0xFFFFE000;
	s23 =	simm.s32 @!p0 $0xE  }
0x3e: {  	[tilespmem:s8], [sflag:$0x5] =	stream.indirect.gather @!p0 [hbm4b:s6+s9], $0x80, s2, s9, $0xb8;
	[tilespmem:$0x12800] =	vst v63  }
0x3f: {  	_ =	swait.ge @!p0 [sflag:s23], $0x2000  }
0x40: {  	[sflag:s23] =	ssyncset.done @!p0 $0x0  }
0x41: {  	s28 =	rddreg [dreg:$0x6];
	[sflag:s23] =	ssyncadd.s32 @!p0 $0xFFFFE000  }
0x42: {  	[tilespmem:s13], [sflag:$0x6] =	stream.indirect.gather [hbm4b:s28+s10], $0x80, s2, s10, $0xb8;
	[tilespmem:$0x12800] =	vst v63  }
0x43: {  	s8 =	simm.s32 @p0 $0xE800  }
0x44: {  	[tilespmem:s8], [sflag:$0x7] =	stream.indirect.gather @p0 [hbm4b:s7+s4], $0x80, s2, s4, $0xb8;
	[tilespmem:$0x12800] =	vst v63  }
0x45: {  	s4 =	simm.s32 @!p0 $0xF  }
0x46: {  	_ =	swait.ge @!p0 [sflag:s4], $0x2000  }
0x47: {  	[sflag:s4] =	ssyncset.done @!p0 $0x0  }
0x48: {  	s8 =	simm.s32 @!p0 $0x10;
	[sflag:s4] =	ssyncadd.s32 @!p0 $0xFFFFE000;
	s4 =	simm.s32 @!p0 $0xE800  }
0x49: {  	[tilespmem:s4], [sflag:$0x7] =	stream.indirect.gather @!p0 [hbm4b:s7+s9], $0x80, s2, s9, $0xb8;
	[tilespmem:$0x12800] =	vst v63  }
0x4a: {  	_ =	swait.ge @!p0 [sflag:s8], $0x2000  }
0x4b: {  	[sflag:s8] =	ssyncset.done @!p0 $0x0  }
0x4c: {  	s9 =	rddreg [dreg:$0x7];
	[sflag:s8] =	ssyncadd.s32 @!p0 $0xFFFFE000  }
0x4d: {  	[tilespmem:s14], [sflag:$0x8] =	stream.indirect.gather [hbm4b:s9+s10], $0x80, s2, s10, $0xb8;
	[tilespmem:$0x12800] =	vst v63  }
0x4e: {  	_ =	swait.ge [sflag:s15], $0x2000  }
0x4f: {  	s23 =	rddreg [dreg:$0x8];
	[sflag:s15] =	ssyncset.done $0x0  }
0x50: {  	s24 =	rddreg [dreg:$0x9];
	[sflag:s15] =	ssyncadd.s32 $0xFFFFE000;
	s2 =	sadd.s32 $0x0, s23  }
0x51: {  	[hbm4b:s2+s3] =	stream.linear.scatter [tilespmem:s24], [sflag:$0x9], $0x2000, $0x38;
	[tilespmem:$0x12800] =	vst v63  }
0x52: {  	_ =	swait.ge [sflag:s16], $0x2000  }
0x53: {  	s25 =	rddreg [dreg:$0xa];
	[sflag:s16] =	ssyncset.done $0x0  }
0x54: {  	[sflag:s16] =	ssyncadd.s32 $0xFFFFE000;
	s2 =	sadd.s32 $0x0, s25  }
0x55: {  	[hbm4b:s2+s3] =	stream.linear.scatter [tilespmem:s11], [sflag:$0xA], $0x2000, $0x38;
	[tilespmem:$0x12800] =	vst v63  }
0x56: {  	_ =	swait.ge [sflag:s17], $0x2000  }
0x57: {  	s26 =	rddreg [dreg:$0xb];
	[sflag:s17] =	ssyncset.done $0x0  }
0x58: {  	s28 =	rddreg [dreg:$0xc];
	[sflag:s17] =	ssyncadd.s32 $0xFFFFE000;
	s2 =	sadd.s32 $0x0, s26  }
0x59: {  	[hbm4b:s2+s3] =	stream.linear.scatter [tilespmem:s28], [sflag:$0xB], $0x2000, $0x38;
	[tilespmem:$0x12800] =	vst v63  }
0x5a: {  	_ =	swait.ge [sflag:s18], $0x2000  }
0x5b: {  	s8 =	rddreg [dreg:$0xd];
	[sflag:s18] =	ssyncset.done $0x0  }
0x5c: {  	[sflag:s18] =	ssyncadd.s32 $0xFFFFE000;
	s2 =	sadd.s32 $0x0, s8  }
0x5d: {  	[hbm4b:s2+s3] =	stream.linear.scatter [tilespmem:s12], [sflag:$0xC], $0x2000, $0x38;
	[tilespmem:$0x12800] =	vst v63  }
0x5e: {  	_ =	swait.ge [sflag:s19], $0x2000  }
0x5f: {  	s9 =	rddreg [dreg:$0xe];
	[sflag:s19] =	ssyncset.done $0x0  }
0x60: {  	s23 =	rddreg [dreg:$0xf];
	[sflag:s19] =	ssyncadd.s32 $0xFFFFE000;
	s2 =	sadd.s32 $0x0, s9  }
0x61: {  	[hbm4b:s2+s3] =	stream.linear.scatter [tilespmem:s23], [sflag:$0xD], $0x2000, $0x38;
	[tilespmem:$0x12800] =	vst v63  }
0x62: {  	_ =	swait.ge [sflag:s20], $0x2000  }
0x63: {  	s24 =	rddreg [dreg:$0x10];
	[sflag:s20] =	ssyncset.done $0x0  }
0x64: {  	[sflag:s20] =	ssyncadd.s32 $0xFFFFE000;
	s2 =	sadd.s32 $0x0, s24  }
0x65: {  	[hbm4b:s2+s3] =	stream.linear.scatter [tilespmem:s13], [sflag:$0xE], $0x2000, $0x38;
	[tilespmem:$0x12800] =	vst v63  }
0x66: {  	_ =	swait.ge [sflag:s21], $0x2000  }
0x67: {  	p6 =	por $0x1, $0x1;
	s25 =	rddreg [dreg:$0x11];
	[sflag:s21] =	ssyncset.done $0x0  }
0x68: {  	s26 =	rddreg [dreg:$0x12];
	[sflag:s21] =	ssyncadd.s32 $0xFFFFE000;
	s2 =	sadd.s32 $0x0, s25  }
0x69: {  	[hbm4b:s2+s3] =	stream.linear.scatter [tilespmem:s26], [sflag:$0xF], $0x2000, $0x38;
	[tilespmem:$0x12800] =	vst v63  }
0x6a: {  	p0 =	por p6, p6;
	s8 =	simm.s32 $0x800;
	_ =	swait.ge [sflag:s22], $0x2000  }
0x6b: {  	s23 =	simm.s32 $0x80;
	s28 =	rddreg [dreg:$0x13];
	[sflag:s22] =	ssyncset.done $0x0  }
0x6c: {  	s2 =	simm.s32 $0x400;
	[sflag:s22] =	ssyncadd.s32 $0xFFFFE000;
	s4 =	sadd.s32 $0x0, s28  }
.LBB2_2:
0x6d: {  	[hbm4b:s4+s3] =	stream.linear.scatter [tilespmem:s14], [sflag:$0x10], $0x2000, $0x38;
	[tilespmem:$0x12800] =	vst v63  }
0x6e: {  	s4 =	simm.s32 @p0 $0x9  }
0x6f: {  	_ =	swait.ge @p0 [sflag:s4], $0x2000  }
0x70: {  	s24 =	simm.s32 @p0 $0xA;
	[sflag:s4] =	ssyncset.done @p0 $0x0  }
0x71: {  	s25 =	simm.s32 @p0 $0x2800;
	[sflag:s4] =	ssyncadd.s32 @p0 $0xFFFFE000;
	s4 =	simm.s32 @p0 $0x40  }
0x72: {  	[tilespmem:s25], [sflag:$0x1] =	stream.indirect.gather @p0 [hbm4b:s1+s4], $0x80, s23, s4, $0xb8;
	[tilespmem:$0x12800] =	vst v63  }
0x73: {  	_ =	swait.ge @p0 [sflag:s24], $0x2000  }
0x74: {  	s4 =	simm.s32 @!p0 $0x0;
	[sflag:s24] =	ssyncset.done @p0 $0x0  }
0x75: {  	s25 =	simm.s32 @!p0 $0x2800;
	[sflag:s24] =	ssyncadd.s32 @p0 $0xFFFFE000;
	s24 =	simm.s32 @!p0 $0x40  }
0x76: {  	[tilespmem:s25], [sflag:$0x1] =	stream.indirect.gather @!p0 [hbm4b:s1+s24], $0x80, s4, s24, $0xb8;
	[tilespmem:$0x12800] =	vst v63  }
0x77: {  	s4 =	smov.u32 s23  }
0x78: {  	p2 =	seq.s32 s2, $0x0;
	s26 =	rddreg [dreg:$0x4];
	s4 =	simm.s32 @!p0 $0x0  }
0x79: {  	[tilespmem:s11], [sflag:$0x2] =	stream.indirect.gather [hbm4b:s26+s10], $0x80, s4, s10, $0xb8;
	[tilespmem:$0x12800] =	vst v63  }
0x7a: {  	s24 =	simm.s32 @p2 $0x40;
	s25 =	simm.s32 @p2 $0x6800;
	s26 =	simm.s32 @!p2 $0xB  }
0x7b: {  	[tilespmem:s25], [sflag:$0x3] =	stream.indirect.gather @p2 [hbm4b:s5+s24], $0x80, s4, s24, $0xb8;
	[tilespmem:$0x12800] =	vst v63  }
0x7c: {  	_ =	swait.ge @!p2 [sflag:s26], $0x2000  }
0x7d: {  	s28 =	simm.s32 @!p2 $0x6800;
	[sflag:s26] =	ssyncset.done @!p2 $0x0  }
0x7e: {  	s25 =	simm.s32 @!p2 $0xC;
	[sflag:s26] =	ssyncadd.s32 @!p2 $0xFFFFE000;
	s26 =	simm.s32 @!p2 $0x40  }
0x7f: {  	[tilespmem:s28], [sflag:$0x3] =	stream.indirect.gather @!p2 [hbm4b:s5+s26], $0x80, s4, s26, $0xb8;
	[tilespmem:$0x12800] =	vst v63  }
0x80: {  	_ =	swait.ge @!p2 [sflag:s25], $0x2000  }
0x81: {  	[sflag:s25] =	ssyncset.done @!p2 $0x0  }
0x82: {  	s28 =	rddreg [dreg:$0x5];
	[sflag:s25] =	ssyncadd.s32 @!p2 $0xFFFFE000  }
0x83: {  	[tilespmem:s12], [sflag:$0x4] =	stream.indirect.gather [hbm4b:s28+s10], $0x80, s4, s10, $0xb8;
	[tilespmem:$0x12800] =	vst v63  }
0x84: {  	s25 =	simm.s32 @p2 $0xA800;
	s28 =	simm.s32 @!p2 $0xD  }
0x85: {  	[tilespmem:s25], [sflag:$0x5] =	stream.indirect.gather @p2 [hbm4b:s6+s24], $0x80, s4, s24, $0xb8;
	[tilespmem:$0x12800] =	vst v63  }
0x86: {  	_ =	swait.ge @!p2 [sflag:s28], $0x2000  }
0x87: {  	[sflag:s28] =	ssyncset.done @!p2 $0x0  }
0x88: {  	s25 =	simm.s32 @!p2 $0xA800;
	[sflag:s28] =	ssyncadd.s32 @!p2 $0xFFFFE000;
	s28 =	simm.s32 @!p2 $0xE  }
0x89: {  	[tilespmem:s25], [sflag:$0x5] =	stream.indirect.gather @!p2 [hbm4b:s6+s26], $0x80, s4, s26, $0xb8;
	[tilespmem:$0x12800] =	vst v63  }
0x8a: {  	_ =	swait.ge @!p2 [sflag:s28], $0x2000  }
0x8b: {  	[sflag:s28] =	ssyncset.done @!p2 $0x0  }
0x8c: {  	s25 =	rddreg [dreg:$0x6];
	[sflag:s28] =	ssyncadd.s32 @!p2 $0xFFFFE000  }
0x8d: {  	[tilespmem:s13], [sflag:$0x6] =	stream.indirect.gather [hbm4b:s25+s10], $0x80, s4, s10, $0xb8;
	[tilespmem:$0x12800] =	vst v63  }
0x8e: {  	s28 =	simm.s32 @!p2 $0xF;
	s25 =	simm.s32 @p2 $0xE800  }
0x8f: {  	[tilespmem:s25], [sflag:$0x7] =	stream.indirect.gather @p2 [hbm4b:s7+s24], $0x80, s4, s24, $0xb8;
	[tilespmem:$0x12800] =	vst v63  }
0x90: {  	_ =	swait.ge @!p2 [sflag:s28], $0x2000  }
0x91: {  	[sflag:s28] =	ssyncset.done @!p2 $0x0  }
0x92: {  	s24 =	simm.s32 @!p2 $0xE800;
	s25 =	simm.s32 @!p2 $0x10;
	[sflag:s28] =	ssyncadd.s32 @!p2 $0xFFFFE000  }
0x93: {  	[tilespmem:s24], [sflag:$0x7] =	stream.indirect.gather @!p2 [hbm4b:s7+s26], $0x80, s4, s26, $0xb8;
	[tilespmem:$0x12800] =	vst v63  }
0x94: {  	_ =	swait.ge @!p2 [sflag:s25], $0x2000  }
0x95: {  	[sflag:s25] =	ssyncset.done @!p2 $0x0  }
0x96: {  	s28 =	rddreg [dreg:$0x7];
	[sflag:s25] =	ssyncadd.s32 @!p2 $0xFFFFE000  }
0x97: {  	[tilespmem:s14], [sflag:$0x8] =	stream.indirect.gather [hbm4b:s28+s10], $0x80, s4, s10, $0xb8;
	[tilespmem:$0x12800] =	vst v63  }
0x98: {  	_ =	swait.ge [sflag:s15], $0x2000  }
0x99: {  	s26 =	rddreg [dreg:$0x8];
	[sflag:s15] =	ssyncset.done $0x0  }
0x9a: {  	s28 =	rddreg [dreg:$0x9];
	[sflag:s15] =	ssyncadd.s32 $0xFFFFE000;
	s4 =	sadd.s32 s2, s26  }
0x9b: {  	[hbm4b:s4+s3] =	stream.linear.scatter [tilespmem:s28], [sflag:$0x9], $0x2000, $0x38;
	[tilespmem:$0x12800] =	vst v63  }
0x9c: {  	_ =	swait.ge [sflag:s16], $0x2000  }
0x9d: {  	s25 =	rddreg [dreg:$0xa];
	[sflag:s16] =	ssyncset.done $0x0  }
0x9e: {  	[sflag:s16] =	ssyncadd.s32 $0xFFFFE000;
	s4 =	sadd.s32 s2, s25  }
0x9f: {  	[hbm4b:s4+s3] =	stream.linear.scatter [tilespmem:s11], [sflag:$0xA], $0x2000, $0x38;
	[tilespmem:$0x12800] =	vst v63  }
0xa0: {  	_ =	swait.ge [sflag:s17], $0x2000  }
0xa1: {  	s26 =	rddreg [dreg:$0xb];
	[sflag:s17] =	ssyncset.done $0x0  }
0xa2: {  	s28 =	rddreg [dreg:$0xc];
	[sflag:s17] =	ssyncadd.s32 $0xFFFFE000;
	s4 =	sadd.s32 s2, s26  }
0xa3: {  	[hbm4b:s4+s3] =	stream.linear.scatter [tilespmem:s28], [sflag:$0xB], $0x2000, $0x38;
	[tilespmem:$0x12800] =	vst v63  }
0xa4: {  	_ =	swait.ge [sflag:s18], $0x2000  }
0xa5: {  	s25 =	rddreg [dreg:$0xd];
	[sflag:s18] =	ssyncset.done $0x0  }
0xa6: {  	[sflag:s18] =	ssyncadd.s32 $0xFFFFE000;
	s4 =	sadd.s32 s2, s25  }
0xa7: {  	[hbm4b:s4+s3] =	stream.linear.scatter [tilespmem:s12], [sflag:$0xC], $0x2000, $0x38;
	[tilespmem:$0x12800] =	vst v63  }
0xa8: {  	_ =	swait.ge [sflag:s19], $0x2000  }
0xa9: {  	s26 =	rddreg [dreg:$0xe];
	[sflag:s19] =	ssyncset.done $0x0  }
0xaa: {  	s28 =	rddreg [dreg:$0xf];
	[sflag:s19] =	ssyncadd.s32 $0xFFFFE000;
	s4 =	sadd.s32 s2, s26  }
0xab: {  	[hbm4b:s4+s3] =	stream.linear.scatter [tilespmem:s28], [sflag:$0xD], $0x2000, $0x38;
	[tilespmem:$0x12800] =	vst v63  }
0xac: {  	_ =	swait.ge [sflag:s20], $0x2000  }
0xad: {  	s24 =	rddreg [dreg:$0x10];
	[sflag:s20] =	ssyncset.done $0x0  }
0xae: {  	[sflag:s20] =	ssyncadd.s32 $0xFFFFE000;
	s4 =	sadd.s32 s2, s24  }
0xaf: {  	[hbm4b:s4+s3] =	stream.linear.scatter [tilespmem:s13], [sflag:$0xE], $0x2000, $0x38;
	[tilespmem:$0x12800] =	vst v63  }
0xb0: {  	_ =	swait.ge [sflag:s21], $0x2000  }
0xb1: {  	s9 =	smov.u32 s8;
	s8 =	sadd.s32 $0x400, s8;
	s25 =	rddreg [dreg:$0x11]  }
0xb2: {  	p1 =	sne.s32 s8, $0x14000;
	s26 =	rddreg [dreg:$0x12];
	[sflag:s21] =	ssyncset.done $0x0  }
.Ltmp0:
0xb3: {  	[sflag:s21] =	ssyncadd.s32 $0xFFFFE000;
	s4 =	sadd.s32 s2, s25;
	(pc) =	sbr.rel @p1 .LBB2_2-.Ltmp0, $4  }
0xb4: {  	[hbm4b:s4+s3] =	stream.linear.scatter [tilespmem:s26], [sflag:$0xF], $0x2000, $0x38;
	[tilespmem:$0x12800] =	vst v63  }
0xb5: {  	p3 =	sne.s32 s9, $0x0;
	s23 =	sadd.s32 $0x80, s23;
	_ =	swait.ge [sflag:s22], $0x2000  }
0xb6: {  	p0 =	por p3, p3;
	[sflag:s22] =	ssyncset.done $0x0;
	s28 =	rddreg [dreg:$0x13]  }
0xb7: {  	[sflag:s22] =	ssyncadd.s32 $0xFFFFE000;
	s4 =	sadd.s32 s2, s28;
	s2 =	smov.u32 s9  }
0xb8: {  	[hbm4b:s4+s3] =	stream.linear.scatter [tilespmem:s14], [sflag:$0x10], $0x2000, $0x38;
	[tilespmem:$0x12800] =	vst v63  }
0xb9: {  	s4 =	simm.s32 @p0 $0x9  }
0xba: {  	_ =	swait.ge @p0 [sflag:s4], $0x2000  }
0xbb: {  	s8 =	simm.s32 @p0 $0xA;
	[sflag:s4] =	ssyncset.done @p0 $0x0  }
0xbc: {  	s9 =	simm.s32 @p0 $0x2800;
	[sflag:s4] =	ssyncadd.s32 @p0 $0xFFFFE000;
	s4 =	simm.s32 @p0 $0x40  }
0xbd: {  	[tilespmem:s9], [sflag:$0x1] =	stream.indirect.gather @p0 [hbm4b:s1+s4], $0x80, s23, s4, $0xb8;
	[tilespmem:$0x12800] =	vst v63  }
0xbe: {  	_ =	swait.ge @p0 [sflag:s8], $0x2000  }
0xbf: {  	s4 =	simm.s32 @!p0 $0x0;
	[sflag:s8] =	ssyncset.done @p0 $0x0  }
0xc0: {  	s9 =	simm.s32 @!p0 $0x2800;
	[sflag:s8] =	ssyncadd.s32 @p0 $0xFFFFE000;
	s8 =	simm.s32 @!p0 $0x40  }
0xc1: {  	[tilespmem:s9], [sflag:$0x1] =	stream.indirect.gather @!p0 [hbm4b:s1+s8], $0x80, s4, s8, $0xb8;
	[tilespmem:$0x12800] =	vst v63  }
0xc2: {  	s23 =	simm.s32 @!p0 $0x0;
	s24 =	rddreg [dreg:$0x4];
	p0 =	seq.s32 s2, $0x0  }
0xc3: {  	[tilespmem:s11], [sflag:$0x2] =	stream.indirect.gather [hbm4b:s24+s10], $0x80, s23, s10, $0xb8;
	[tilespmem:$0x12800] =	vst v63  }
0xc4: {  	s4 =	simm.s32 @p0 $0x40;
	s8 =	simm.s32 @p0 $0x6800;
	s9 =	simm.s32 @!p0 $0xB  }
0xc5: {  	[tilespmem:s8], [sflag:$0x3] =	stream.indirect.gather @p0 [hbm4b:s5+s4], $0x80, s23, s4, $0xb8;
	[tilespmem:$0x12800] =	vst v63  }
0xc6: {  	_ =	swait.ge @!p0 [sflag:s9], $0x2000  }
0xc7: {  	s24 =	simm.s32 @!p0 $0x6800;
	[sflag:s9] =	ssyncset.done @!p0 $0x0  }
0xc8: {  	s8 =	simm.s32 @!p0 $0xC;
	[sflag:s9] =	ssyncadd.s32 @!p0 $0xFFFFE000;
	s9 =	simm.s32 @!p0 $0x40  }
0xc9: {  	[tilespmem:s24], [sflag:$0x3] =	stream.indirect.gather @!p0 [hbm4b:s5+s9], $0x80, s23, s9, $0xb8;
	[tilespmem:$0x12800] =	vst v63  }
0xca: {  	_ =	swait.ge @!p0 [sflag:s8], $0x2000  }
0xcb: {  	[sflag:s8] =	ssyncset.done @!p0 $0x0  }
0xcc: {  	s26 =	rddreg [dreg:$0x5];
	[sflag:s8] =	ssyncadd.s32 @!p0 $0xFFFFE000  }
0xcd: {  	[tilespmem:s12], [sflag:$0x4] =	stream.indirect.gather [hbm4b:s26+s10], $0x80, s23, s10, $0xb8;
	[tilespmem:$0x12800] =	vst v63  }
0xce: {  	s24 =	simm.s32 @!p0 $0xD;
	s8 =	simm.s32 @p0 $0xA800  }
0xcf: {  	[tilespmem:s8], [sflag:$0x5] =	stream.indirect.gather @p0 [hbm4b:s6+s4], $0x80, s23, s4, $0xb8;
	[tilespmem:$0x12800] =	vst v63  }
0xd0: {  	_ =	swait.ge @!p0 [sflag:s24], $0x2000  }
0xd1: {  	[sflag:s24] =	ssyncset.done @!p0 $0x0  }
0xd2: {  	s8 =	simm.s32 @!p0 $0xA800;
	[sflag:s24] =	ssyncadd.s32 @!p0 $0xFFFFE000;
	s24 =	simm.s32 @!p0 $0xE  }
0xd3: {  	[tilespmem:s8], [sflag:$0x5] =	stream.indirect.gather @!p0 [hbm4b:s6+s9], $0x80, s23, s9, $0xb8;
	[tilespmem:$0x12800] =	vst v63  }
0xd4: {  	_ =	swait.ge @!p0 [sflag:s24], $0x2000  }
0xd5: {  	[sflag:s24] =	ssyncset.done @!p0 $0x0  }
0xd6: {  	s28 =	rddreg [dreg:$0x6];
	[sflag:s24] =	ssyncadd.s32 @!p0 $0xFFFFE000  }
0xd7: {  	[tilespmem:s13], [sflag:$0x6] =	stream.indirect.gather [hbm4b:s28+s10], $0x80, s23, s10, $0xb8;
	[tilespmem:$0x12800] =	vst v63  }
0xd8: {  	s8 =	simm.s32 @p0 $0xE800  }
0xd9: {  	[tilespmem:s8], [sflag:$0x7] =	stream.indirect.gather @p0 [hbm4b:s7+s4], $0x80, s23, s4, $0xb8;
	[tilespmem:$0x12800] =	vst v63  }
0xda: {  	s4 =	simm.s32 @!p0 $0xF  }
0xdb: {  	_ =	swait.ge @!p0 [sflag:s4], $0x2000  }
0xdc: {  	[sflag:s4] =	ssyncset.done @!p0 $0x0  }
0xdd: {  	[sflag:s4] =	ssyncadd.s32 @!p0 $0xFFFFE000;
	s4 =	simm.s32 @!p0 $0xE800  }
0xde: {  	[tilespmem:s4], [sflag:$0x7] =	stream.indirect.gather @!p0 [hbm4b:s7+s9], $0x80, s23, s9, $0xb8;
	[tilespmem:$0x12800] =	vst v63  }
0xdf: {  	s4 =	simm.s32 @!p0 $0x10  }
0xe0: {  	_ =	swait.ge @!p0 [sflag:s4], $0x2000  }
0xe1: {  	[sflag:s4] =	ssyncset.done @!p0 $0x0  }
0xe2: {  	s9 =	rddreg [dreg:$0x7];
	[sflag:s4] =	ssyncadd.s32 @!p0 $0xFFFFE000  }
0xe3: {  	[tilespmem:s14], [sflag:$0x8] =	stream.indirect.gather [hbm4b:s9+s10], $0x80, s23, s10, $0xb8;
	[tilespmem:$0x12800] =	vst v63  }
0xe4: {  	_ =	swait.ge [sflag:s15], $0x2000  }
0xe5: {  	s23 =	rddreg [dreg:$0x8];
	[sflag:s15] =	ssyncset.done $0x0  }
0xe6: {  	s24 =	rddreg [dreg:$0x9];
	[sflag:s15] =	ssyncadd.s32 $0xFFFFE000;
	s4 =	sadd.s32 s2, s23  }
0xe7: {  	[hbm4b:s4+s3] =	stream.linear.scatter [tilespmem:s24], [sflag:$0x9], $0x2000, $0x38;
	[tilespmem:$0x12800] =	vst v63  }
0xe8: {  	_ =	swait.ge [sflag:s16], $0x2000  }
0xe9: {  	s25 =	rddreg [dreg:$0xa];
	[sflag:s16] =	ssyncset.done $0x0  }
0xea: {  	[sflag:s16] =	ssyncadd.s32 $0xFFFFE000;
	s4 =	sadd.s32 s2, s25  }
0xeb: {  	[hbm4b:s4+s3] =	stream.linear.scatter [tilespmem:s11], [sflag:$0xA], $0x2000, $0x38;
	[tilespmem:$0x12800] =	vst v63  }
0xec: {  	_ =	swait.ge [sflag:s17], $0x2000  }
0xed: {  	s26 =	rddreg [dreg:$0xb];
	[sflag:s17] =	ssyncset.done $0x0  }
0xee: {  	s28 =	rddreg [dreg:$0xc];
	[sflag:s17] =	ssyncadd.s32 $0xFFFFE000;
	s4 =	sadd.s32 s2, s26  }
0xef: {  	[hbm4b:s4+s3] =	stream.linear.scatter [tilespmem:s28], [sflag:$0xB], $0x2000, $0x38;
	[tilespmem:$0x12800] =	vst v63  }
0xf0: {  	_ =	swait.ge [sflag:s18], $0x2000  }
0xf1: {  	s8 =	rddreg [dreg:$0xd];
	[sflag:s18] =	ssyncset.done $0x0  }
0xf2: {  	[sflag:s18] =	ssyncadd.s32 $0xFFFFE000;
	s4 =	sadd.s32 s2, s8  }
0xf3: {  	[hbm4b:s4+s3] =	stream.linear.scatter [tilespmem:s12], [sflag:$0xC], $0x2000, $0x38;
	[tilespmem:$0x12800] =	vst v63  }
0xf4: {  	_ =	swait.ge [sflag:s19], $0x2000  }
0xf5: {  	s9 =	rddreg [dreg:$0xe];
	[sflag:s19] =	ssyncset.done $0x0  }
0xf6: {  	s23 =	rddreg [dreg:$0xf];
	[sflag:s19] =	ssyncadd.s32 $0xFFFFE000;
	s4 =	sadd.s32 s2, s9  }
0xf7: {  	[hbm4b:s4+s3] =	stream.linear.scatter [tilespmem:s23], [sflag:$0xD], $0x2000, $0x38;
	[tilespmem:$0x12800] =	vst v63  }
0xf8: {  	_ =	swait.ge [sflag:s20], $0x2000  }
0xf9: {  	s24 =	rddreg [dreg:$0x10];
	[sflag:s20] =	ssyncset.done $0x0  }
0xfa: {  	[sflag:s20] =	ssyncadd.s32 $0xFFFFE000;
	s4 =	sadd.s32 s2, s24  }
0xfb: {  	[hbm4b:s4+s3] =	stream.linear.scatter [tilespmem:s13], [sflag:$0xE], $0x2000, $0x38;
	[tilespmem:$0x12800] =	vst v63  }
0xfc: {  	_ =	swait.ge [sflag:s21], $0x2000  }
0xfd: {  	s25 =	rddreg [dreg:$0x11];
	[sflag:s21] =	ssyncset.done $0x0  }
0xfe: {  	s26 =	rddreg [dreg:$0x12];
	[sflag:s21] =	ssyncadd.s32 $0xFFFFE000;
	s4 =	sadd.s32 s2, s25  }
0xff: {  	[hbm4b:s4+s3] =	stream.linear.scatter [tilespmem:s26], [sflag:$0xF], $0x2000, $0x38;
	[tilespmem:$0x12800] =	vst v63  }
0x100: {  	_ =	swait.ge [sflag:s22], $0x2000  }
0x101: {  	s28 =	rddreg [dreg:$0x13];
	[sflag:s22] =	ssyncset.done $0x0  }
0x102: {  	s9 =	simm.s32 $0x9;
	s8 =	sadd.s32 s2, s28;
	[sflag:s22] =	ssyncadd.s32 $0xFFFFE000  }
0x103: {  	[hbm4b:s8+s3] =	stream.linear.scatter [tilespmem:s14], [sflag:$0x10], $0x2000, $0x38;
	[tilespmem:$0x12800] =	vst v63  }
0x104: {  	_ =	swait.ge [sflag:s9], $0x2000  }
0x105: {  	[sflag:s9] =	ssyncset.done $0x0  }
0x106: {  	s23 =	simm.s32 $0xA;
	[sflag:s9] =	ssyncadd.s32 $0xFFFFE000  }
0x107: {  	_ =	swait.ge [sflag:s23], $0x2000  }
0x108: {  	[sflag:s23] =	ssyncset.done $0x0  }
0x109: {  	s24 =	simm.s32 $0xB;
	[sflag:s23] =	ssyncadd.s32 $0xFFFFE000  }
0x10a: {  	_ =	swait.ge [sflag:s24], $0x2000  }
0x10b: {  	[sflag:s24] =	ssyncset.done $0x0  }
0x10c: {  	s25 =	simm.s32 $0xC;
	[sflag:s24] =	ssyncadd.s32 $0xFFFFE000  }
0x10d: {  	_ =	swait.ge [sflag:s25], $0x2000  }
0x10e: {  	[sflag:s25] =	ssyncset.done $0x0  }
0x10f: {  	s26 =	simm.s32 $0xD;
	[sflag:s25] =	ssyncadd.s32 $0xFFFFE000  }
0x110: {  	_ =	swait.ge [sflag:s26], $0x2000  }
0x111: {  	[sflag:s26] =	ssyncset.done $0x0  }
0x112: {  	[sflag:s26] =	ssyncadd.s32 $0xFFFFE000  }
0x113: {  	_ =	swait.ge [sflag:s29], $0x2000  }
0x114: {  	[sflag:s29] =	ssyncset.done $0x0  }
0x115: {  	[sflag:s29] =	ssyncadd.s32 $0xFFFFE000  }
0x116: {  	_ =	swait.ge [sflag:s30], $0x2000  }
0x117: {  	[sflag:s30] =	ssyncset.done $0x0  }
0x118: {  	[sflag:s30] =	ssyncadd.s32 $0xFFFFE000  }
0x119: {  	_ =	swait.ge [sflag:s31], $0x2000  }
0x11a: {  	s0 =	sadd.s32 $0x1, s0;
	s28 =	rddreg [dreg:$0x15]  }
0x11b: {  	p0 =	sne.s32 s0, s28  }
.Ltmp1:
0x11c: {  	_ = 	snop;
	(pc) =	sbr.rel @p0 .LBB2_1-.Ltmp1, $3  }
0x11d: {  	_ =	sdelay $0x1  }
0x11e: {  	[sflag:s31] =	ssyncset.done $0x0  }
0x11f: {  	[sflag:s31] =	ssyncadd.s32 $0xFFFFE000  }
0x120: {  	_ =	sfence.sel $0x180000  }
0x121: {  	[bflag:$0x0] =	sbarrier.arrive $0xFFFF  }
0x122: {  	_ =	strace $0x90000047  }
0x123: {  	s0 =	stileid.u32;
	[bflag:$0x2] =	sbarrier.arrive $0xFFFF  }
0x124: {  	p0 =	sne.s32 s0, $0x0;
	s0 =	rddreg [dreg:$0x3]  }
0x125: {  	s0 =	sadd.s32 @!p0 $0x100000, s0  }
0x126: {  	[sflag:s0] =	ssyncadd.tile.s32 @!p0 $0x1;
	_ =	shalt  }
.Lfunc_end2:
_tile_overlayer_lowered:
.L_overlay_start_2:
0x127: {  	(tag) =	ssettag $0x2  }
0x128: {  	s0 =	rddreg [dreg:$0x0];
	s2 =	stileid.u32  }
0x129: {  	s1 =	rddreg [dreg:$0x1];
	p0 =	sne.s32 s2, $0x0  }
0x12a: {  	s3 =	rddreg [dreg:$0x2];
	[bflag:$0x3] =	sbarrier.arrive $0xFFFF;
	s2 =	simm.s32 @!p0 $0x1C11  }
0x12b: {  	[timem:s3], [sflag:s2] =	dma.local @!p0 [hbm:s0], s1  }
0x12c: {  	s0 =	simm.s32 @!p0 $0x11  }
0x12d: {  	_ =	swait.ge @!p0 [sflag:s0], s1  }
0x12e: {  	s1 =	ssub.s32 @!p0 $0x0, s1;
	[sflag:s0] =	ssyncset.done @!p0 $0x0  }
0x12f: {  	[sflag:s0] =	ssyncadd.s32 @!p0 s1  }
0x130: {  	[bflag:$0x3] =	sbarrier.arrive $0xFFFF  }
0x131: {  	_ =	shalt  }

</sc_bundles>
